<compile_context>
chip_gen: v7x
topology: tpu7x:2x2x1
jax: 0.10.2.dev20260603
libtpu: 0.0.44.dev20260713+nightly
codegen_flags: <defaults>
</compile_context>

<pallas_src>
import functools

import jax
import jax.numpy as jnp
from jax import lax
from jax.experimental import pallas as pl
from jax.experimental.pallas import tpu as pltpu
from jax.experimental.pallas import tpu_sc as plsc

_NUM_CODES = 4096
_DIM = 768
_NTB = 8
_BATCH = 1024
_N = _BATCH * _NTB
_NEV = 16384
_LN2 = 0.6931471805599453

_TM = 1024
_TN = 1024

_NW = 32
_NG = _NEV + _N
_NPW = _NG // _NW


def _fulla_body(x_ref, w_ref, b_ref, o_ref):
    x = x_ref[...]
    w = w_ref[...]
    xh = x.astype(jnp.bfloat16)
    xl = (x - xh.astype(jnp.float32)).astype(jnp.bfloat16)
    wh = w.astype(jnp.bfloat16)
    wl = (w - wh.astype(jnp.float32)).astype(jnp.bfloat16)
    dn = (((1,), (0,)), ((), ()))
    o = lax.dot_general(xh, wh, dn, preferred_element_type=jnp.float32)
    o += lax.dot_general(xl, wh, dn, preferred_element_type=jnp.float32)
    o += lax.dot_general(xh, wl, dn, preferred_element_type=jnp.float32)
    o_ref[...] = o + b_ref[...]


def _logits_body(a_ref, c_ref, d_ref, l_ref, acc_ref):
    s = lax.dot_general(a_ref[...].astype(jnp.bfloat16),
                        c_ref[...].astype(jnp.bfloat16),
                        (((1,), (1,)), ((), ())),
                        preferred_element_type=jnp.float32)
    lg = jnp.exp2(s)
    l_ref[...] = lg
    ps = lg[:, 0:128]
    for k in range(1, _TN // 128):
        ps = ps + lg[:, k * 128:(k + 1) * 128]
    part = jnp.sum(ps * jnp.exp2(d_ref[...]))

    @pl.when((pl.program_id(0) == 0) & (pl.program_id(1) == 0))
    def _():
        acc_ref[0, 0] = 0.0

    acc_ref[0, 0] += part


def _final_body(acc_ref, d_ref, v_ref, gsv_ref, gev_ref, m_ref, o_ref):
    e2d = jnp.exp2(d_ref[...])
    e2v = jnp.exp2(v_ref[...])
    ssv = jnp.sum(gsv_ref[...], axis=1, keepdims=True)
    corr = jnp.sum((e2v - e2d) * jnp.exp2(ssv))
    evs = jnp.sum(gev_ref[...])
    nm = jnp.sum(m_ref[...])
    exp_mean = (acc_ref[0, 0] + corr) / (_N * _NUM_CODES)
    survival = exp_mean * (_N / nm)
    event = -_LN2 * evs / (nm * _NUM_CODES)
    o_ref[0, 0] = survival + event


_KB = 32
_EV_PW = _NEV // _NW
_SV_PW = _N // _NW


def _make_sc_dots():
    mesh = plsc.VectorSubcoreMesh(core_axis_name="c", subcore_axis_name="s")

    @functools.partial(
        pl.kernel,
        out_type=(jax.ShapeDtypeStruct((_NW, 16), jnp.float32),
                  jax.ShapeDtypeStruct((_N, 16), jnp.float32)),
        mesh=mesh,
        scratch_types=[
            pltpu.VMEM((_EV_PW,), jnp.int32),
            pltpu.VMEM((_EV_PW,), jnp.int32),
            pltpu.VMEM((_KB, _DIM), jnp.float32),
            pltpu.VMEM((_KB, _DIM), jnp.float32),
            pltpu.VMEM((_SV_PW, 16), jnp.float32),
            pltpu.VMEM((16,), jnp.float32),
            pltpu.SemaphoreType.DMA,
            pltpu.SemaphoreType.DMA,
        ],
    )
    def dots(fa_hbm, cw_hbm, r_hbm, c_hbm, ev_hbm, sv_hbm,
             r_v, c_v, fa_v, cw_v, sv_v, ev_v, sem_a, sem_b):
        wid = lax.axis_index("s") * 2 + lax.axis_index("c")

        def dot16(p):
            acc = fa_v[p, pl.ds(0, 16)] * cw_v[p, pl.ds(0, 16)]
            for k in range(1, _DIM // 16):
                acc = acc + (fa_v[p, pl.ds(k * 16, 16)]
                             * cw_v[p, pl.ds(k * 16, 16)])
            return acc

        base_e = wid * _EV_PW
        pltpu.sync_copy(r_hbm.at[pl.ds(base_e, _EV_PW)], r_v)
        pltpu.sync_copy(c_hbm.at[pl.ds(base_e, _EV_PW)], c_v)

        def batch_e(bi, eacc):
            off = bi * _KB
            cp_a = pltpu.async_copy(fa_hbm.at[r_v.at[pl.ds(off, _KB)]],
                                    fa_v, sem_a)
            cp_b = pltpu.async_copy(cw_hbm.at[c_v.at[pl.ds(off, _KB)]],
                                    cw_v, sem_b)
            cp_a.wait()
            cp_b.wait()
            return lax.fori_loop(0, _KB, lambda p, a: a + dot16(p), eacc)

        eacc = lax.fori_loop(0, _EV_PW // _KB, batch_e,
                             jnp.zeros((16,), jnp.float32))
        ev_v[...] = eacc
        pltpu.sync_copy(ev_v, ev_hbm.at[wid])

        base_s = _NEV + wid * _SV_PW
        pltpu.sync_copy(r_hbm.at[pl.ds(base_s, _SV_PW)],
                        r_v.at[pl.ds(0, _SV_PW)])
        pltpu.sync_copy(c_hbm.at[pl.ds(base_s, _SV_PW)],
                        c_v.at[pl.ds(0, _SV_PW)])

        def batch_s(bi, carry):
            off = bi * _KB
            cp_a = pltpu.async_copy(fa_hbm.at[r_v.at[pl.ds(off, _KB)]],
                                    fa_v, sem_a)
            cp_b = pltpu.async_copy(cw_hbm.at[c_v.at[pl.ds(off, _KB)]],
                                    cw_v, sem_b)
            cp_a.wait()
            cp_b.wait()

            def pair(p, carry2):
                sv_v[off + p] = dot16(p)
                return carry2

            lax.fori_loop(0, _KB, pair, 0)
            return carry

        lax.fori_loop(0, _SV_PW // _KB, batch_s, 0)
        pltpu.sync_copy(sv_v, sv_hbm.at[pl.ds(wid * _SV_PW, _SV_PW)])

    return dots


_sc_dots = _make_sc_dots()


def kernel(features, mask, event_indices, sparse_offsets, sparse_defaults,
           sparse_indices, sparse_values, W, b, code_weights):
    f32 = jnp.float32

    Wp = jnp.pad(W.reshape(_DIM, _NTB, _DIM - 1),
                 ((0, 0), (0, 0), (0, 1))).reshape(_DIM, _NTB * _DIM)
    bp = jnp.pad(b.reshape(_NTB, _DIM - 1), ((0, 0), (0, 1)),
                 constant_values=1.0).reshape(1, _NTB * _DIM)

    fulla2 = pl.pallas_call(
        _fulla_body,
        grid=(8,),
        in_specs=[
            pl.BlockSpec((_BATCH, _DIM), lambda j: (0, 0)),
            pl.BlockSpec((_DIM, _DIM), lambda j: (0, j)),
            pl.BlockSpec((1, _DIM), lambda j: (0, j)),
        ],
        out_specs=pl.BlockSpec((_BATCH, _DIM), lambda j: (0, j)),
        out_shape=jax.ShapeDtypeStruct((_BATCH, _NTB * _DIM), f32),
    )(features, Wp, bp)
    full_a = fulla2.reshape(_N, _DIM)

    d_col = sparse_defaults.reshape(_N, 1)
    logits, acc = pl.pallas_call(
        _logits_body,
        grid=(_N // _TM, _NUM_CODES // _TN),
        in_specs=[
            pl.BlockSpec((_TM, _DIM), lambda i, j: (i, 0)),
            pl.BlockSpec((_TN, _DIM), lambda i, j: (j, 0)),
            pl.BlockSpec((_TM, 1), lambda i, j: (i, 0)),
        ],
        out_specs=[
            pl.BlockSpec((_TM, _TN), lambda i, j: (i, j)),
            pl.BlockSpec((1, 1), lambda i, j: (0, 0),
                         memory_space=pltpu.SMEM),
        ],
        out_shape=[
            jax.ShapeDtypeStruct((_N, _NUM_CODES), f32),
            jax.ShapeDtypeStruct((1, 1), f32),
        ],
    )(full_a, code_weights, d_col)

    r_all = jnp.concatenate([event_indices[:, 0].astype(jnp.int32),
                             jnp.arange(_N, dtype=jnp.int32)])
    c_all = jnp.concatenate([event_indices[:, 1].astype(jnp.int32),
                             sparse_indices.astype(jnp.int32)])
    gev, gsv = _sc_dots(full_a, code_weights, r_all, c_all)
    v_col = sparse_values.reshape(_N, 1)
    m2 = mask.astype(f32).reshape(8, 128)

    loss = pl.pallas_call(
        _final_body,
        in_specs=[
            pl.BlockSpec(memory_space=pltpu.SMEM),
            pl.BlockSpec((_N, 1), lambda: (0, 0)),
            pl.BlockSpec((_N, 1), lambda: (0, 0)),
            pl.BlockSpec((_N, 16), lambda: (0, 0)),
            pl.BlockSpec((_NW, 16), lambda: (0, 0)),
            pl.BlockSpec((8, 128), lambda: (0, 0)),
        ],
        out_specs=pl.BlockSpec(memory_space=pltpu.SMEM),
        out_shape=jax.ShapeDtypeStruct((1, 1), f32),
    )(acc, d_col, v_col, gsv, gev, m2)

    return loss[0, 0], logits

# --- scband reference (transcript-rebuilt; emitter-appended) ---
"""Pipeline reference for scband-survival-clmbrtask-82583631167787 (READ-ONLY COPY).

The authoritative reference and input builder live on the scoring server;
editing this copy changes nothing except your own understanding.
"""

import jax, jax.numpy as jnp
import numpy as np

NUM_CODES = 4096
DIM = 768
NUM_TIME_BINS = 8
B = 1024
N = B * NUM_TIME_BINS
NUM_EVENTS = 16384


def setup_inputs(seed: int = 0) -> dict:
    key = jax.random.key(seed)
    ks = jax.random.split(key, 12)
    features = jax.random.normal(ks[0], (B, DIM), dtype=jnp.float32)
    mask = jnp.ones((B,), dtype=bool)
    ev_rows = jax.random.randint(ks[1], (NUM_EVENTS,), 0, N)
    ev_cols = jax.random.randint(ks[2], (NUM_EVENTS,), 0, NUM_CODES)
    event_indices = jnp.stack([ev_rows, ev_cols], axis=1)
    sparse_offsets = jnp.arange(N + 1, dtype=jnp.int32)
    sparse_indices = jax.random.randint(ks[3], (N,), 0, NUM_CODES)
    sparse_values = jax.random.normal(ks[4], (N,), dtype=jnp.float32) * 0.5
    sparse_defaults = jax.random.normal(ks[5], (N,), dtype=jnp.float32) * 0.5
    std = 1.0 / np.sqrt(DIM)
    code_weights = jax.random.truncated_normal(ks[6], -2.0, 2.0, (NUM_CODES, DIM), dtype=jnp.float32) * std
    W = jax.random.truncated_normal(ks[7], -2.0, 2.0, (DIM, NUM_TIME_BINS * (DIM - 1)), dtype=jnp.float32) * std
    b = jnp.zeros((NUM_TIME_BINS * (DIM - 1),), dtype=jnp.float32)
    return {"features": features, "mask": mask, "event_indices": event_indices,
            "sparse_offsets": sparse_offsets, "sparse_defaults": sparse_defaults,
            "sparse_indices": sparse_indices, "sparse_values": sparse_values,
            "W": W, "b": b, "code_weights": code_weights}


def _exp_mean(full_a, code_weights, sparse_offsets, sparse_defaults, sparse_indices, sparse_values):
    # faithful translation of piton.jax.exp_mean:
    # mean over all (i, j) of exp2(full_a @ code_weights.T + c), where c is a
    # CSR sparse matrix with per-row default values overridden at the listed indices.
    scores = full_a @ code_weights.T
    c = jnp.broadcast_to(sparse_defaults[:, None], scores.shape)
    nnz = sparse_indices.shape[0]
    row_ids = jnp.searchsorted(sparse_offsets, jnp.arange(nnz, dtype=sparse_offsets.dtype), side='right') - 1
    c = c.at[row_ids, sparse_indices].set(sparse_values)
    return jnp.mean(jnp.exp2(scores + c))


def _embedding_dot(a, b, indices):
    # piton.jax.embedding_dot: per-pair dot products a[indices[:,0]] . b[indices[:,1]]
    return jnp.sum(jnp.take(a, indices[:, 0], axis=0) * jnp.take(b, indices[:, 1], axis=0), axis=-1)


def reference(features, mask, event_indices, sparse_offsets, sparse_defaults, sparse_indices, sparse_values, W, b, code_weights):
    nb = features.shape[0]
    binned_reprs = (features @ W + b).reshape((nb, NUM_TIME_BINS, DIM - 1))
    offsets = jnp.ones((nb, NUM_TIME_BINS, 1), dtype=features.dtype)
    total_reps = jnp.concatenate((binned_reprs, offsets), axis=-1)
    num_masked = mask.sum(dtype=jnp.float32)
    full_a = total_reps.reshape(-1, DIM)
    survival_loss = _exp_mean(full_a, code_weights, sparse_offsets, sparse_defaults, sparse_indices, sparse_values) * (full_a.shape[0] / num_masked)
    event_loss = jnp.log(2.0) * _embedding_dot(full_a, code_weights, event_indices).sum(dtype=jnp.float32)
    event_loss = -event_loss / (num_masked * code_weights.shape[0])
    logits = jnp.exp2(full_a @ code_weights.T)
    return (event_loss + survival_loss, logits)

if __name__ == "__main__":
    import jax
    _d = setup_inputs()
    print(jax.jit(kernel)(*tuple(_d.values())))

</pallas_src>

<mosaic_0001>
#map = affine_map<(d0, d1) -> (0, 0)>
#map1 = affine_map<(d0, d1) -> (0)>
module attributes {stable_mosaic.version = 14 : i64} {
  func.func @dots(%arg0: i32, %arg1: i32, %arg2: memref<8192x768xf32, #tpu.memory_space<hbm>>, %arg3: memref<4096x768xf32, #tpu.memory_space<hbm>>, %arg4: memref<24576xi32, #tpu.memory_space<hbm>>, %arg5: memref<24576xi32, #tpu.memory_space<hbm>>, %arg6: memref<32x16xf32, #tpu.memory_space<hbm>>, %arg7: memref<8192x16xf32, #tpu.memory_space<hbm>>, %arg8: memref<512xi32, #tpu.memory_space<vmem>>, %arg9: memref<512xi32, #tpu.memory_space<vmem>>, %arg10: memref<32x768xf32, #tpu.memory_space<vmem>>, %arg11: memref<32x768xf32, #tpu.memory_space<vmem>>, %arg12: memref<256x16xf32, #tpu.memory_space<vmem>>, %arg13: memref<16xf32, #tpu.memory_space<vmem>>, %arg14: memref<!tpu.dma_semaphore, #tpu.memory_space<semaphore_mem>>, %arg15: memref<!tpu.dma_semaphore, #tpu.memory_space<semaphore_mem>>) attributes {dimension_semantics = [#tpu.dimension_semantics<core_parallel>, #tpu.dimension_semantics<subcore_parallel>], iteration_bounds = array<i64: 2, 16>, scalar_prefetch = 0 : i64, scratch_operands = 8 : i64, tpu.core_type = #tpu.core_type<sc_vector_subcore>, window_params = [{transform_indices = #map}, {transform_indices = #map}, {transform_indices = #map1}, {transform_indices = #map1}, {transform_indices = #map}, {transform_indices = #map}]} {
    %mul3A = arith.constant 2 : i32
    %mul3A_0 = arith.muli %arg1, %mul3A : i32
    %add3A = arith.addi %mul3A_0, %arg0 : i32
    %mul3A_1 = arith.constant 512 : i32
    %mul3A_2 = arith.muli %add3A, %mul3A_1 : i32
    "tpu.region"() ({
      %run_scoped3A = tpu.sem_alloc : memref<!tpu.dma_semaphore, #tpu.memory_space<semaphore_mem>>
      %dma_start3A = tpu.memref_slice %arg4[%mul3A_2] : memref<24576xi32, #tpu.memory_space<hbm>> -> memref<512xi32, #tpu.memory_space<hbm>>
      %dma_start3A_24 = tpu.memref_slice %arg4[%mul3A_2] : memref<24576xi32, #tpu.memory_space<hbm>> -> memref<512xi32, #tpu.memory_space<hbm>>
      tpu.enqueue_dma source(%dma_start3A_24 : memref<512xi32, #tpu.memory_space<hbm>>) target(%arg8 : memref<512xi32, #tpu.memory_space<vmem>>) target_semaphore(%run_scoped3A : memref<!tpu.dma_semaphore, #tpu.memory_space<semaphore_mem>>)
      %dma_wait3A = tpu.memref_slice %arg4[%mul3A_2] : memref<24576xi32, #tpu.memory_space<hbm>> -> memref<512xi32, #tpu.memory_space<hbm>>
      %dma_wait3A_25 = tpu.memref_slice %arg4[%mul3A_2] : memref<24576xi32, #tpu.memory_space<hbm>> -> memref<512xi32, #tpu.memory_space<hbm>>
      tpu.wait_dma2 semaphore(%run_scoped3A : memref<!tpu.dma_semaphore, #tpu.memory_space<semaphore_mem>>) src(%dma_wait3A_25 : memref<512xi32, #tpu.memory_space<hbm>>) dst(%arg8 : memref<512xi32, #tpu.memory_space<vmem>>)
      tpu.yield
    }) : () -> ()
    "tpu.region"() ({
      %run_scoped3A = tpu.sem_alloc : memref<!tpu.dma_semaphore, #tpu.memory_space<semaphore_mem>>
      %dma_start3A = tpu.memref_slice %arg5[%mul3A_2] : memref<24576xi32, #tpu.memory_space<hbm>> -> memref<512xi32, #tpu.memory_space<hbm>>
      %dma_start3A_24 = tpu.memref_slice %arg5[%mul3A_2] : memref<24576xi32, #tpu.memory_space<hbm>> -> memref<512xi32, #tpu.memory_space<hbm>>
      tpu.enqueue_dma source(%dma_start3A_24 : memref<512xi32, #tpu.memory_space<hbm>>) target(%arg9 : memref<512xi32, #tpu.memory_space<vmem>>) target_semaphore(%run_scoped3A : memref<!tpu.dma_semaphore, #tpu.memory_space<semaphore_mem>>)
      %dma_wait3A = tpu.memref_slice %arg5[%mul3A_2] : memref<24576xi32, #tpu.memory_space<hbm>> -> memref<512xi32, #tpu.memory_space<hbm>>
      %dma_wait3A_25 = tpu.memref_slice %arg5[%mul3A_2] : memref<24576xi32, #tpu.memory_space<hbm>> -> memref<512xi32, #tpu.memory_space<hbm>>
      tpu.wait_dma2 semaphore(%run_scoped3A : memref<!tpu.dma_semaphore, #tpu.memory_space<semaphore_mem>>) src(%dma_wait3A_25 : memref<512xi32, #tpu.memory_space<hbm>>) dst(%arg9 : memref<512xi32, #tpu.memory_space<vmem>>)
      tpu.yield
    }) : () -> ()
    %broadcast_in_dim3A = arith.constant 0.000000e+00 : f32
    %broadcast_in_dim3A_3 = vector.broadcast %broadcast_in_dim3A : f32 to vector<16xf32>
    %scan3A = arith.constant 0 : i32
    %scan3A_4 = arith.constant 16 : i32
    %scan3A_5 = arith.addi %scan3A, %scan3A_4 : i32
    %scan3A_6 = arith.constant 1 : i32
    %scan3A_7 = scf.for %scan3A_24 = %scan3A to %scan3A_5 step %scan3A_6 iter_args(%scan3A_25 = %broadcast_in_dim3A_3) -> (vector<16xf32>)  : i32 {
      %mul3A_26 = arith.constant 32 : i32
      %mul3A_27 = arith.muli %scan3A_24, %mul3A_26 : i32
      %dma_start3A = tpu.memref_slice %arg8[%mul3A_27] : memref<512xi32, #tpu.memory_space<vmem>> -> memref<32xi32, #tpu.memory_space<vmem>>
      %dma_start3A_28 = arith.constant 0 : i32
      %dma_start3A_29 = arith.constant 0 : i32
      %dma_start3A_30 = tpu.memref_slice %arg2[%dma_start3A_28, %dma_start3A_29] : memref<8192x768xf32, #tpu.memory_space<hbm>> -> memref<8192x768xf32, #tpu.memory_space<hbm>>
      tpu.enqueue_indirect_dma source(%dma_start3A_30 : memref<8192x768xf32, #tpu.memory_space<hbm>>) target(%arg10 : memref<32x768xf32, #tpu.memory_space<vmem>>) offsets(%dma_start3A : memref<32xi32, #tpu.memory_space<vmem>>) semaphore(%arg14 : memref<!tpu.dma_semaphore, #tpu.memory_space<semaphore_mem>>)
      %dma_start3A_31 = tpu.memref_slice %arg9[%mul3A_27] : memref<512xi32, #tpu.memory_space<vmem>> -> memref<32xi32, #tpu.memory_space<vmem>>
      %dma_start3A_32 = arith.constant 0 : i32
      %dma_start3A_33 = arith.constant 0 : i32
      %dma_start3A_34 = tpu.memref_slice %arg3[%dma_start3A_32, %dma_start3A_33] : memref<4096x768xf32, #tpu.memory_space<hbm>> -> memref<4096x768xf32, #tpu.memory_space<hbm>>
      tpu.enqueue_indirect_dma source(%dma_start3A_34 : memref<4096x768xf32, #tpu.memory_space<hbm>>) target(%arg11 : memref<32x768xf32, #tpu.memory_space<vmem>>) offsets(%dma_start3A_31 : memref<32xi32, #tpu.memory_space<vmem>>) semaphore(%arg15 : memref<!tpu.dma_semaphore, #tpu.memory_space<semaphore_mem>>)
      %dma_wait3A = tpu.memref_slice %arg8[%mul3A_27] : memref<512xi32, #tpu.memory_space<vmem>> -> memref<32xi32, #tpu.memory_space<vmem>>
      %dma_wait3A_35 = arith.constant 0 : i32
      %dma_wait3A_36 = arith.constant 0 : i32
      %dma_wait3A_37 = tpu.memref_slice %arg2[%dma_wait3A_35, %dma_wait3A_36] : memref<8192x768xf32, #tpu.memory_space<hbm>> -> memref<8192x768xf32, #tpu.memory_space<hbm>>
      tpu.wait_indirect_dma semaphore(%arg14 : memref<!tpu.dma_semaphore, #tpu.memory_space<semaphore_mem>>) src(%dma_wait3A_37 : memref<8192x768xf32, #tpu.memory_space<hbm>>) dst(%arg10 : memref<32x768xf32, #tpu.memory_space<vmem>>)
      %dma_wait3A_38 = tpu.memref_slice %arg9[%mul3A_27] : memref<512xi32, #tpu.memory_space<vmem>> -> memref<32xi32, #tpu.memory_space<vmem>>
      %dma_wait3A_39 = arith.constant 0 : i32
      %dma_wait3A_40 = arith.constant 0 : i32
      %dma_wait3A_41 = tpu.memref_slice %arg3[%dma_wait3A_39, %dma_wait3A_40] : memref<4096x768xf32, #tpu.memory_space<hbm>> -> memref<4096x768xf32, #tpu.memory_space<hbm>>
      tpu.wait_indirect_dma semaphore(%arg15 : memref<!tpu.dma_semaphore, #tpu.memory_space<semaphore_mem>>) src(%dma_wait3A_41 : memref<4096x768xf32, #tpu.memory_space<hbm>>) dst(%arg11 : memref<32x768xf32, #tpu.memory_space<vmem>>)
      %scan3A_42 = arith.constant 0 : i32
      %scan3A_43 = arith.constant 32 : i32
      %scan3A_44 = arith.addi %scan3A_42, %scan3A_43 : i32
      %scan3A_45 = arith.constant 1 : i32
      %scan3A_46 = scf.for %scan3A_48 = %scan3A_42 to %scan3A_44 step %scan3A_45 iter_args(%scan3A_49 = %scan3A_25) -> (vector<16xf32>)  : i32 {
        %get3A = arith.index_cast %scan3A_48 : i32 to index
        %get3A_50 = arith.constant 0 : index
        %get3A_51 = tpu.vector_load %arg10[%get3A, %get3A_50] {strides = array<i32>} : memref<32x768xf32, #tpu.memory_space<vmem>>, vector<1x16xf32>,
        %get3A_52 = vector.shape_cast %get3A_51 : vector<1x16xf32> to vector<16xf32>
        %get3A_53 = arith.index_cast %scan3A_48 : i32 to index
        %get3A_54 = arith.constant 0 : index
        %get3A_55 = tpu.vector_load %arg11[%get3A_53, %get3A_54] {strides = array<i32>} : memref<32x768xf32, #tpu.memory_space<vmem>>, vector<1x16xf32>,
        %get3A_56 = vector.shape_cast %get3A_55 : vector<1x16xf32> to vector<16xf32>
        %mul3A_57 = arith.mulf %get3A_52, %get3A_56 : vector<16xf32>
        %get3A_58 = arith.index_cast %scan3A_48 : i32 to index
        %get3A_59 = arith.constant 16 : index
        %get3A_60 = tpu.vector_load %arg10[%get3A_58, %get3A_59] {strides = array<i32>} : memref<32x768xf32, #tpu.memory_space<vmem>>, vector<1x16xf32>,
        %get3A_61 = vector.shape_cast %get3A_60 : vector<1x16xf32> to vector<16xf32>
        %get3A_62 = arith.index_cast %scan3A_48 : i32 to index
        %get3A_63 = arith.constant 16 : index
        %get3A_64 = tpu.vector_load %arg11[%get3A_62, %get3A_63] {strides = array<i32>} : memref<32x768xf32, #tpu.memory_space<vmem>>, vector<1x16xf32>,
        %get3A_65 = vector.shape_cast %get3A_64 : vector<1x16xf32> to vector<16xf32>
        %mul3A_66 = arith.mulf %get3A_61, %get3A_65 : vector<16xf32>
        %add3A_67 = arith.addf %mul3A_57, %mul3A_66 : vector<16xf32>
        %get3A_68 = arith.index_cast %scan3A_48 : i32 to index
        %get3A_69 = arith.constant 32 : index
        %get3A_70 = tpu.vector_load %arg10[%get3A_68, %get3A_69] {strides = array<i32>} : memref<32x768xf32, #tpu.memory_space<vmem>>, vector<1x16xf32>,
        %get3A_71 = vector.shape_cast %get3A_70 : vector<1x16xf32> to vector<16xf32>
        %get3A_72 = arith.index_cast %scan3A_48 : i32 to index
        %get3A_73 = arith.constant 32 : index
        %get3A_74 = tpu.vector_load %arg11[%get3A_72, %get3A_73] {strides = array<i32>} : memref<32x768xf32, #tpu.memory_space<vmem>>, vector<1x16xf32>,
        %get3A_75 = vector.shape_cast %get3A_74 : vector<1x16xf32> to vector<16xf32>
        %mul3A_76 = arith.mulf %get3A_71, %get3A_75 : vector<16xf32>
        %add3A_77 = arith.addf %add3A_67, %mul3A_76 : vector<16xf32>
        %get3A_78 = arith.index_cast %scan3A_48 : i32 to index
        %get3A_79 = arith.constant 48 : index
        %get3A_80 = tpu.vector_load %arg10[%get3A_78, %get3A_79] {strides = array<i32>} : memref<32x768xf32, #tpu.memory_space<vmem>>, vector<1x16xf32>,
        %get3A_81 = vector.shape_cast %get3A_80 : vector<1x16xf32> to vector<16xf32>
        %get3A_82 = arith.index_cast %scan3A_48 : i32 to index
        %get3A_83 = arith.constant 48 : index
        %get3A_84 = tpu.vector_load %arg11[%get3A_82, %get3A_83] {strides = array<i32>} : memref<32x768xf32, #tpu.memory_space<vmem>>, vector<1x16xf32>,
        %get3A_85 = vector.shape_cast %get3A_84 : vector<1x16xf32> to vector<16xf32>
        %mul3A_86 = arith.mulf %get3A_81, %get3A_85 : vector<16xf32>
        %add3A_87 = arith.addf %add3A_77, %mul3A_86 : vector<16xf32>
        %get3A_88 = arith.index_cast %scan3A_48 : i32 to index
        %get3A_89 = arith.constant 64 : index
        %get3A_90 = tpu.vector_load %arg10[%get3A_88, %get3A_89] {strides = array<i32>} : memref<32x768xf32, #tpu.memory_space<vmem>>, vector<1x16xf32>,
        %get3A_91 = vector.shape_cast %get3A_90 : vector<1x16xf32> to vector<16xf32>
        %get3A_92 = arith.index_cast %scan3A_48 : i32 to index
        %get3A_93 = arith.constant 64 : index
        %get3A_94 = tpu.vector_load %arg11[%get3A_92, %get3A_93] {strides = array<i32>} : memref<32x768xf32, #tpu.memory_space<vmem>>, vector<1x16xf32>,
        %get3A_95 = vector.shape_cast %get3A_94 : vector<1x16xf32> to vector<16xf32>
        %mul3A_96 = arith.mulf %get3A_91, %get3A_95 : vector<16xf32>
        %add3A_97 = arith.addf %add3A_87, %mul3A_96 : vector<16xf32>
        %get3A_98 = arith.index_cast %scan3A_48 : i32 to index
        %get3A_99 = arith.constant 80 : index
        %get3A_100 = tpu.vector_load %arg10[%get3A_98, %get3A_99] {strides = array<i32>} : memref<32x768xf32, #tpu.memory_space<vmem>>, vector<1x16xf32>,
        %get3A_101 = vector.shape_cast %get3A_100 : vector<1x16xf32> to vector<16xf32>
        %get3A_102 = arith.index_cast %scan3A_48 : i32 to index
        %get3A_103 = arith.constant 80 : index
        %get3A_104 = tpu.vector_load %arg11[%get3A_102, %get3A_103] {strides = array<i32>} : memref<32x768xf32, #tpu.memory_space<vmem>>, vector<1x16xf32>,
        %get3A_105 = vector.shape_cast %get3A_104 : vector<1x16xf32> to vector<16xf32>
        %mul3A_106 = arith.mulf %get3A_101, %get3A_105 : vector<16xf32>
        %add3A_107 = arith.addf %add3A_97, %mul3A_106 : vector<16xf32>
        %get3A_108 = arith.index_cast %scan3A_48 : i32 to index
        %get3A_109 = arith.constant 96 : index
        %get3A_110 = tpu.vector_load %arg10[%get3A_108, %get3A_109] {strides = array<i32>} : memref<32x768xf32, #tpu.memory_space<vmem>>, vector<1x16xf32>,
        %get3A_111 = vector.shape_cast %get3A_110 : vector<1x16xf32> to vector<16xf32>
        %get3A_112 = arith.index_cast %scan3A_48 : i32 to index
        %get3A_113 = arith.constant 96 : index
        %get3A_114 = tpu.vector_load %arg11[%get3A_112, %get3A_113] {strides = array<i32>} : memref<32x768xf32, #tpu.memory_space<vmem>>, vector<1x16xf32>,
        %get3A_115 = vector.shape_cast %get3A_114 : vector<1x16xf32> to vector<16xf32>
        %mul3A_116 = arith.mulf %get3A_111, %get3A_115 : vector<16xf32>
        %add3A_117 = arith.addf %add3A_107, %mul3A_116 : vector<16xf32>
        %get3A_118 = arith.index_cast %scan3A_48 : i32 to index
        %get3A_119 = arith.constant 112 : index
        %get3A_120 = tpu.vector_load %arg10[%get3A_118, %get3A_119] {strides = array<i32>} : memref<32x768xf32, #tpu.memory_space<vmem>>, vector<1x16xf32>,
        %get3A_121 = vector.shape_cast %get3A_120 : vector<1x16xf32> to vector<16xf32>
        %get3A_122 = arith.index_cast %scan3A_48 : i32 to index
        %get3A_123 = arith.constant 112 : index
        %get3A_124 = tpu.vector_load %arg11[%get3A_122, %get3A_123] {strides = array<i32>} : memref<32x768xf32, #tpu.memory_space<vmem>>, vector<1x16xf32>,
        %get3A_125 = vector.shape_cast %get3A_124 : vector<1x16xf32> to vector<16xf32>
        %mul3A_126 = arith.mulf %get3A_121, %get3A_125 : vector<16xf32>
        %add3A_127 = arith.addf %add3A_117, %mul3A_126 : vector<16xf32>
        %get3A_128 = arith.index_cast %scan3A_48 : i32 to index
        %get3A_129 = arith.constant 128 : index
        %get3A_130 = tpu.vector_load %arg10[%get3A_128, %get3A_129] {strides = array<i32>} : memref<32x768xf32, #tpu.memory_space<vmem>>, vector<1x16xf32>,
        %get3A_131 = vector.shape_cast %get3A_130 : vector<1x16xf32> to vector<16xf32>
        %get3A_132 = arith.index_cast %scan3A_48 : i32 to index
        %get3A_133 = arith.constant 128 : index
        %get3A_134 = tpu.vector_load %arg11[%get3A_132, %get3A_133] {strides = array<i32>} : memref<32x768xf32, #tpu.memory_space<vmem>>, vector<1x16xf32>,
        %get3A_135 = vector.shape_cast %get3A_134 : vector<1x16xf32> to vector<16xf32>
        %mul3A_136 = arith.mulf %get3A_131, %get3A_135 : vector<16xf32>
        %add3A_137 = arith.addf %add3A_127, %mul3A_136 : vector<16xf32>
        %get3A_138 = arith.index_cast %scan3A_48 : i32 to index
        %get3A_139 = arith.constant 144 : index
        %get3A_140 = tpu.vector_load %arg10[%get3A_138, %get3A_139] {strides = array<i32>} : memref<32x768xf32, #tpu.memory_space<vmem>>, vector<1x16xf32>,
        %get3A_141 = vector.shape_cast %get3A_140 : vector<1x16xf32> to vector<16xf32>
        %get3A_142 = arith.index_cast %scan3A_48 : i32 to index
        %get3A_143 = arith.constant 144 : index
        %get3A_144 = tpu.vector_load %arg11[%get3A_142, %get3A_143] {strides = array<i32>} : memref<32x768xf32, #tpu.memory_space<vmem>>, vector<1x16xf32>,
        %get3A_145 = vector.shape_cast %get3A_144 : vector<1x16xf32> to vector<16xf32>
        %mul3A_146 = arith.mulf %get3A_141, %get3A_145 : vector<16xf32>
        %add3A_147 = arith.addf %add3A_137, %mul3A_146 : vector<16xf32>
        %get3A_148 = arith.index_cast %scan3A_48 : i32 to index
        %get3A_149 = arith.constant 160 : index
        %get3A_150 = tpu.vector_load %arg10[%get3A_148, %get3A_149] {strides = array<i32>} : memref<32x768xf32, #tpu.memory_space<vmem>>, vector<1x16xf32>,
        %get3A_151 = vector.shape_cast %get3A_150 : vector<1x16xf32> to vector<16xf32>
        %get3A_152 = arith.index_cast %scan3A_48 : i32 to index
        %get3A_153 = arith.constant 160 : index
        %get3A_154 = tpu.vector_load %arg11[%get3A_152, %get3A_153] {strides = array<i32>} : memref<32x768xf32, #tpu.memory_space<vmem>>, vector<1x16xf32>,
        %get3A_155 = vector.shape_cast %get3A_154 : vector<1x16xf32> to vector<16xf32>
        %mul3A_156 = arith.mulf %get3A_151, %get3A_155 : vector<16xf32>
        %add3A_157 = arith.addf %add3A_147, %mul3A_156 : vector<16xf32>
        %get3A_158 = arith.index_cast %scan3A_48 : i32 to index
        %get3A_159 = arith.constant 176 : index
        %get3A_160 = tpu.vector_load %arg10[%get3A_158, %get3A_159] {strides = array<i32>} : memref<32x768xf32, #tpu.memory_space<vmem>>, vector<1x16xf32>,
        %get3A_161 = vector.shape_cast %get3A_160 : vector<1x16xf32> to vector<16xf32>
        %get3A_162 = arith.index_cast %scan3A_48 : i32 to index
        %get3A_163 = arith.constant 176 : index
        %get3A_164 = tpu.vector_load %arg11[%get3A_162, %get3A_163] {strides = array<i32>} : memref<32x768xf32, #tpu.memory_space<vmem>>, vector<1x16xf32>,
        %get3A_165 = vector.shape_cast %get3A_164 : vector<1x16xf32> to vector<16xf32>
        %mul3A_166 = arith.mulf %get3A_161, %get3A_165 : vector<16xf32>
        %add3A_167 = arith.addf %add3A_157, %mul3A_166 : vector<16xf32>
        %get3A_168 = arith.index_cast %scan3A_48 : i32 to index
        %get3A_169 = arith.constant 192 : index
        %get3A_170 = tpu.vector_load %arg10[%get3A_168, %get3A_169] {strides = array<i32>} : memref<32x768xf32, #tpu.memory_space<vmem>>, vector<1x16xf32>,
        %get3A_171 = vector.shape_cast %get3A_170 : vector<1x16xf32> to vector<16xf32>
        %get3A_172 = arith.index_cast %scan3A_48 : i32 to index
        %get3A_173 = arith.constant 192 : index
        %get3A_174 = tpu.vector_load %arg11[%get3A_172, %get3A_173] {strides = array<i32>} : memref<32x768xf32, #tpu.memory_space<vmem>>, vector<1x16xf32>,
        %get3A_175 = vector.shape_cast %get3A_174 : vector<1x16xf32> to vector<16xf32>
        %mul3A_176 = arith.mulf %get3A_171, %get3A_175 : vector<16xf32>
        %add3A_177 = arith.addf %add3A_167, %mul3A_176 : vector<16xf32>
        %get3A_178 = arith.index_cast %scan3A_48 : i32 to index
        %get3A_179 = arith.constant 208 : index
        %get3A_180 = tpu.vector_load %arg10[%get3A_178, %get3A_179] {strides = array<i32>} : memref<32x768xf32, #tpu.memory_space<vmem>>, vector<1x16xf32>,
        %get3A_181 = vector.shape_cast %get3A_180 : vector<1x16xf32> to vector<16xf32>
        %get3A_182 = arith.index_cast %scan3A_48 : i32 to index
        %get3A_183 = arith.constant 208 : index
        %get3A_184 = tpu.vector_load %arg11[%get3A_182, %get3A_183] {strides = array<i32>} : memref<32x768xf32, #tpu.memory_space<vmem>>, vector<1x16xf32>,
        %get3A_185 = vector.shape_cast %get3A_184 : vector<1x16xf32> to vector<16xf32>
        %mul3A_186 = arith.mulf %get3A_181, %get3A_185 : vector<16xf32>
        %add3A_187 = arith.addf %add3A_177, %mul3A_186 : vector<16xf32>
        %get3A_188 = arith.index_cast %scan3A_48 : i32 to index
        %get3A_189 = arith.constant 224 : index
        %get3A_190 = tpu.vector_load %arg10[%get3A_188, %get3A_189] {strides = array<i32>} : memref<32x768xf32, #tpu.memory_space<vmem>>, vector<1x16xf32>,
        %get3A_191 = vector.shape_cast %get3A_190 : vector<1x16xf32> to vector<16xf32>
        %get3A_192 = arith.index_cast %scan3A_48 : i32 to index
        %get3A_193 = arith.constant 224 : index
        %get3A_194 = tpu.vector_load %arg11[%get3A_192, %get3A_193] {strides = array<i32>} : memref<32x768xf32, #tpu.memory_space<vmem>>, vector<1x16xf32>,
        %get3A_195 = vector.shape_cast %get3A_194 : vector<1x16xf32> to vector<16xf32>
        %mul3A_196 = arith.mulf %get3A_191, %get3A_195 : vector<16xf32>
        %add3A_197 = arith.addf %add3A_187, %mul3A_196 : vector<16xf32>
        %get3A_198 = arith.index_cast %scan3A_48 : i32 to index
        %get3A_199 = arith.constant 240 : index
        %get3A_200 = tpu.vector_load %arg10[%get3A_198, %get3A_199] {strides = array<i32>} : memref<32x768xf32, #tpu.memory_space<vmem>>, vector<1x16xf32>,
        %get3A_201 = vector.shape_cast %get3A_200 : vector<1x16xf32> to vector<16xf32>
        %get3A_202 = arith.index_cast %scan3A_48 : i32 to index
        %get3A_203 = arith.constant 240 : index
        %get3A_204 = tpu.vector_load %arg11[%get3A_202, %get3A_203] {strides = array<i32>} : memref<32x768xf32, #tpu.memory_space<vmem>>, vector<1x16xf32>,
        %get3A_205 = vector.shape_cast %get3A_204 : vector<1x16xf32> to vector<16xf32>
        %mul3A_206 = arith.mulf %get3A_201, %get3A_205 : vector<16xf32>
        %add3A_207 = arith.addf %add3A_197, %mul3A_206 : vector<16xf32>
        %get3A_208 = arith.index_cast %scan3A_48 : i32 to index
        %get3A_209 = arith.constant 256 : index
        %get3A_210 = tpu.vector_load %arg10[%get3A_208, %get3A_209] {strides = array<i32>} : memref<32x768xf32, #tpu.memory_space<vmem>>, vector<1x16xf32>,
        %get3A_211 = vector.shape_cast %get3A_210 : vector<1x16xf32> to vector<16xf32>
        %get3A_212 = arith.index_cast %scan3A_48 : i32 to index
        %get3A_213 = arith.constant 256 : index
        %get3A_214 = tpu.vector_load %arg11[%get3A_212, %get3A_213] {strides = array<i32>} : memref<32x768xf32, #tpu.memory_space<vmem>>, vector<1x16xf32>,
        %get3A_215 = vector.shape_cast %get3A_214 : vector<1x16xf32> to vector<16xf32>
        %mul3A_216 = arith.mulf %get3A_211, %get3A_215 : vector<16xf32>
        %add3A_217 = arith.addf %add3A_207, %mul3A_216 : vector<16xf32>
        %get3A_218 = arith.index_cast %scan3A_48 : i32 to index
        %get3A_219 = arith.constant 272 : index
        %get3A_220 = tpu.vector_load %arg10[%get3A_218, %get3A_219] {strides = array<i32>} : memref<32x768xf32, #tpu.memory_space<vmem>>, vector<1x16xf32>,
        %get3A_221 = vector.shape_cast %get3A_220 : vector<1x16xf32> to vector<16xf32>
        %get3A_222 = arith.index_cast %scan3A_48 : i32 to index
        %get3A_223 = arith.constant 272 : index
        %get3A_224 = tpu.vector_load %arg11[%get3A_222, %get3A_223] {strides = array<i32>} : memref<32x768xf32, #tpu.memory_space<vmem>>, vector<1x16xf32>,
        %get3A_225 = vector.shape_cast %get3A_224 : vector<1x16xf32> to vector<16xf32>
        %mul3A_226 = arith.mulf %get3A_221, %get3A_225 : vector<16xf32>
        %add3A_227 = arith.addf %add3A_217, %mul3A_226 : vector<16xf32>
        %get3A_228 = arith.index_cast %scan3A_48 : i32 to index
        %get3A_229 = arith.constant 288 : index
        %get3A_230 = tpu.vector_load %arg10[%get3A_228, %get3A_229] {strides = array<i32>} : memref<32x768xf32, #tpu.memory_space<vmem>>, vector<1x16xf32>,
        %get3A_231 = vector.shape_cast %get3A_230 : vector<1x16xf32> to vector<16xf32>
        %get3A_232 = arith.index_cast %scan3A_48 : i32 to index
        %get3A_233 = arith.constant 288 : index
        %get3A_234 = tpu.vector_load %arg11[%get3A_232, %get3A_233] {strides = array<i32>} : memref<32x768xf32, #tpu.memory_space<vmem>>, vector<1x16xf32>,
        %get3A_235 = vector.shape_cast %get3A_234 : vector<1x16xf32> to vector<16xf32>
        %mul3A_236 = arith.mulf %get3A_231, %get3A_235 : vector<16xf32>
        %add3A_237 = arith.addf %add3A_227, %mul3A_236 : vector<16xf32>
        %get3A_238 = arith.index_cast %scan3A_48 : i32 to index
        %get3A_239 = arith.constant 304 : index
        %get3A_240 = tpu.vector_load %arg10[%get3A_238, %get3A_239] {strides = array<i32>} : memref<32x768xf32, #tpu.memory_space<vmem>>, vector<1x16xf32>,
        %get3A_241 = vector.shape_cast %get3A_240 : vector<1x16xf32> to vector<16xf32>
        %get3A_242 = arith.index_cast %scan3A_48 : i32 to index
        %get3A_243 = arith.constant 304 : index
        %get3A_244 = tpu.vector_load %arg11[%get3A_242, %get3A_243] {strides = array<i32>} : memref<32x768xf32, #tpu.memory_space<vmem>>, vector<1x16xf32>,
        %get3A_245 = vector.shape_cast %get3A_244 : vector<1x16xf32> to vector<16xf32>
        %mul3A_246 = arith.mulf %get3A_241, %get3A_245 : vector<16xf32>
        %add3A_247 = arith.addf %add3A_237, %mul3A_246 : vector<16xf32>
        %get3A_248 = arith.index_cast %scan3A_48 : i32 to index
        %get3A_249 = arith.constant 320 : index
        %get3A_250 = tpu.vector_load %arg10[%get3A_248, %get3A_249] {strides = array<i32>} : memref<32x768xf32, #tpu.memory_space<vmem>>, vector<1x16xf32>,
        %get3A_251 = vector.shape_cast %get3A_250 : vector<1x16xf32> to vector<16xf32>
        %get3A_252 = arith.index_cast %scan3A_48 : i32 to index
        %get3A_253 = arith.constant 320 : index
        %get3A_254 = tpu.vector_load %arg11[%get3A_252, %get3A_253] {strides = array<i32>} : memref<32x768xf32, #tpu.memory_space<vmem>>, vector<1x16xf32>,
        %get3A_255 = vector.shape_cast %get3A_254 : vector<1x16xf32> to vector<16xf32>
        %mul3A_256 = arith.mulf %get3A_251, %get3A_255 : vector<16xf32>
        %add3A_257 = arith.addf %add3A_247, %mul3A_256 : vector<16xf32>
        %get3A_258 = arith.index_cast %scan3A_48 : i32 to index
        %get3A_259 = arith.constant 336 : index
        %get3A_260 = tpu.vector_load %arg10[%get3A_258, %get3A_259] {strides = array<i32>} : memref<32x768xf32, #tpu.memory_space<vmem>>, vector<1x16xf32>,
        %get3A_261 = vector.shape_cast %get3A_260 : vector<1x16xf32> to vector<16xf32>
        %get3A_262 = arith.index_cast %scan3A_48 : i32 to index
        %get3A_263 = arith.constant 336 : index
        %get3A_264 = tpu.vector_load %arg11[%get3A_262, %get3A_263] {strides = array<i32>} : memref<32x768xf32, #tpu.memory_space<vmem>>, vector<1x16xf32>,
        %get3A_265 = vector.shape_cast %get3A_264 : vector<1x16xf32> to vector<16xf32>
        %mul3A_266 = arith.mulf %get3A_261, %get3A_265 : vector<16xf32>
        %add3A_267 = arith.addf %add3A_257, %mul3A_266 : vector<16xf32>
        %get3A_268 = arith.index_cast %scan3A_48 : i32 to index
        %get3A_269 = arith.constant 352 : index
        %get3A_270 = tpu.vector_load %arg10[%get3A_268, %get3A_269] {strides = array<i32>} : memref<32x768xf32, #tpu.memory_space<vmem>>, vector<1x16xf32>,
        %get3A_271 = vector.shape_cast %get3A_270 : vector<1x16xf32> to vector<16xf32>
        %get3A_272 = arith.index_cast %scan3A_48 : i32 to index
        %get3A_273 = arith.constant 352 : index
        %get3A_274 = tpu.vector_load %arg11[%get3A_272, %get3A_273] {strides = array<i32>} : memref<32x768xf32, #tpu.memory_space<vmem>>, vector<1x16xf32>,
        %get3A_275 = vector.shape_cast %get3A_274 : vector<1x16xf32> to vector<16xf32>
        %mul3A_276 = arith.mulf %get3A_271, %get3A_275 : vector<16xf32>
        %add3A_277 = arith.addf %add3A_267, %mul3A_276 : vector<16xf32>
        %get3A_278 = arith.index_cast %scan3A_48 : i32 to index
        %get3A_279 = arith.constant 368 : index
        %get3A_280 = tpu.vector_load %arg10[%get3A_278, %get3A_279] {strides = array<i32>} : memref<32x768xf32, #tpu.memory_space<vmem>>, vector<1x16xf32>,
        %get3A_281 = vector.shape_cast %get3A_280 : vector<1x16xf32> to vector<16xf32>
        %get3A_282 = arith.index_cast %scan3A_48 : i32 to index
        %get3A_283 = arith.constant 368 : index
        %get3A_284 = tpu.vector_load %arg11[%get3A_282, %get3A_283] {strides = array<i32>} : memref<32x768xf32, #tpu.memory_space<vmem>>, vector<1x16xf32>,
        %get3A_285 = vector.shape_cast %get3A_284 : vector<1x16xf32> to vector<16xf32>
        %mul3A_286 = arith.mulf %get3A_281, %get3A_285 : vector<16xf32>
        %add3A_287 = arith.addf %add3A_277, %mul3A_286 : vector<16xf32>
        %get3A_288 = arith.index_cast %scan3A_48 : i32 to index
        %get3A_289 = arith.constant 384 : index
        %get3A_290 = tpu.vector_load %arg10[%get3A_288, %get3A_289] {strides = array<i32>} : memref<32x768xf32, #tpu.memory_space<vmem>>, vector<1x16xf32>,
        %get3A_291 = vector.shape_cast %get3A_290 : vector<1x16xf32> to vector<16xf32>
        %get3A_292 = arith.index_cast %scan3A_48 : i32 to index
        %get3A_293 = arith.constant 384 : index
        %get3A_294 = tpu.vector_load %arg11[%get3A_292, %get3A_293] {strides = array<i32>} : memref<32x768xf32, #tpu.memory_space<vmem>>, vector<1x16xf32>,
        %get3A_295 = vector.shape_cast %get3A_294 : vector<1x16xf32> to vector<16xf32>
        %mul3A_296 = arith.mulf %get3A_291, %get3A_295 : vector<16xf32>
        %add3A_297 = arith.addf %add3A_287, %mul3A_296 : vector<16xf32>
        %get3A_298 = arith.index_cast %scan3A_48 : i32 to index
        %get3A_299 = arith.constant 400 : index
        %get3A_300 = tpu.vector_load %arg10[%get3A_298, %get3A_299] {strides = array<i32>} : memref<32x768xf32, #tpu.memory_space<vmem>>, vector<1x16xf32>,
        %get3A_301 = vector.shape_cast %get3A_300 : vector<1x16xf32> to vector<16xf32>
        %get3A_302 = arith.index_cast %scan3A_48 : i32 to index
        %get3A_303 = arith.constant 400 : index
        %get3A_304 = tpu.vector_load %arg11[%get3A_302, %get3A_303] {strides = array<i32>} : memref<32x768xf32, #tpu.memory_space<vmem>>, vector<1x16xf32>,
        %get3A_305 = vector.shape_cast %get3A_304 : vector<1x16xf32> to vector<16xf32>
        %mul3A_306 = arith.mulf %get3A_301, %get3A_305 : vector<16xf32>
        %add3A_307 = arith.addf %add3A_297, %mul3A_306 : vector<16xf32>
        %get3A_308 = arith.index_cast %scan3A_48 : i32 to index
        %get3A_309 = arith.constant 416 : index
        %get3A_310 = tpu.vector_load %arg10[%get3A_308, %get3A_309] {strides = array<i32>} : memref<32x768xf32, #tpu.memory_space<vmem>>, vector<1x16xf32>,
        %get3A_311 = vector.shape_cast %get3A_310 : vector<1x16xf32> to vector<16xf32>
        %get3A_312 = arith.index_cast %scan3A_48 : i32 to index
        %get3A_313 = arith.constant 416 : index
        %get3A_314 = tpu.vector_load %arg11[%get3A_312, %get3A_313] {strides = array<i32>} : memref<32x768xf32, #tpu.memory_space<vmem>>, vector<1x16xf32>,
        %get3A_315 = vector.shape_cast %get3A_314 : vector<1x16xf32> to vector<16xf32>
        %mul3A_316 = arith.mulf %get3A_311, %get3A_315 : vector<16xf32>
        %add3A_317 = arith.addf %add3A_307, %mul3A_316 : vector<16xf32>
        %get3A_318 = arith.index_cast %scan3A_48 : i32 to index
        %get3A_319 = arith.constant 432 : index
        %get3A_320 = tpu.vector_load %arg10[%get3A_318, %get3A_319] {strides = array<i32>} : memref<32x768xf32, #tpu.memory_space<vmem>>, vector<1x16xf32>,
        %get3A_321 = vector.shape_cast %get3A_320 : vector<1x16xf32> to vector<16xf32>
        %get3A_322 = arith.index_cast %scan3A_48 : i32 to index
        %get3A_323 = arith.constant 432 : index
        %get3A_324 = tpu.vector_load %arg11[%get3A_322, %get3A_323] {strides = array<i32>} : memref<32x768xf32, #tpu.memory_space<vmem>>, vector<1x16xf32>,
        %get3A_325 = vector.shape_cast %get3A_324 : vector<1x16xf32> to vector<16xf32>
        %mul3A_326 = arith.mulf %get3A_321, %get3A_325 : vector<16xf32>
        %add3A_327 = arith.addf %add3A_317, %mul3A_326 : vector<16xf32>
        %get3A_328 = arith.index_cast %scan3A_48 : i32 to index
        %get3A_329 = arith.constant 448 : index
        %get3A_330 = tpu.vector_load %arg10[%get3A_328, %get3A_329] {strides = array<i32>} : memref<32x768xf32, #tpu.memory_space<vmem>>, vector<1x16xf32>,
        %get3A_331 = vector.shape_cast %get3A_330 : vector<1x16xf32> to vector<16xf32>
        %get3A_332 = arith.index_cast %scan3A_48 : i32 to index
        %get3A_333 = arith.constant 448 : index
        %get3A_334 = tpu.vector_load %arg11[%get3A_332, %get3A_333] {strides = array<i32>} : memref<32x768xf32, #tpu.memory_space<vmem>>, vector<1x16xf32>,
        %get3A_335 = vector.shape_cast %get3A_334 : vector<1x16xf32> to vector<16xf32>
        %mul3A_336 = arith.mulf %get3A_331, %get3A_335 : vector<16xf32>
        %add3A_337 = arith.addf %add3A_327, %mul3A_336 : vector<16xf32>
        %get3A_338 = arith.index_cast %scan3A_48 : i32 to index
        %get3A_339 = arith.constant 464 : index
        %get3A_340 = tpu.vector_load %arg10[%get3A_338, %get3A_339] {strides = array<i32>} : memref<32x768xf32, #tpu.memory_space<vmem>>, vector<1x16xf32>,
        %get3A_341 = vector.shape_cast %get3A_340 : vector<1x16xf32> to vector<16xf32>
        %get3A_342 = arith.index_cast %scan3A_48 : i32 to index
        %get3A_343 = arith.constant 464 : index
        %get3A_344 = tpu.vector_load %arg11[%get3A_342, %get3A_343] {strides = array<i32>} : memref<32x768xf32, #tpu.memory_space<vmem>>, vector<1x16xf32>,
        %get3A_345 = vector.shape_cast %get3A_344 : vector<1x16xf32> to vector<16xf32>
        %mul3A_346 = arith.mulf %get3A_341, %get3A_345 : vector<16xf32>
        %add3A_347 = arith.addf %add3A_337, %mul3A_346 : vector<16xf32>
        %get3A_348 = arith.index_cast %scan3A_48 : i32 to index
        %get3A_349 = arith.constant 480 : index
        %get3A_350 = tpu.vector_load %arg10[%get3A_348, %get3A_349] {strides = array<i32>} : memref<32x768xf32, #tpu.memory_space<vmem>>, vector<1x16xf32>,
        %get3A_351 = vector.shape_cast %get3A_350 : vector<1x16xf32> to vector<16xf32>
        %get3A_352 = arith.index_cast %scan3A_48 : i32 to index
        %get3A_353 = arith.constant 480 : index
        %get3A_354 = tpu.vector_load %arg11[%get3A_352, %get3A_353] {strides = array<i32>} : memref<32x768xf32, #tpu.memory_space<vmem>>, vector<1x16xf32>,
        %get3A_355 = vector.shape_cast %get3A_354 : vector<1x16xf32> to vector<16xf32>
        %mul3A_356 = arith.mulf %get3A_351, %get3A_355 : vector<16xf32>
        %add3A_357 = arith.addf %add3A_347, %mul3A_356 : vector<16xf32>
        %get3A_358 = arith.index_cast %scan3A_48 : i32 to index
        %get3A_359 = arith.constant 496 : index
        %get3A_360 = tpu.vector_load %arg10[%get3A_358, %get3A_359] {strides = array<i32>} : memref<32x768xf32, #tpu.memory_space<vmem>>, vector<1x16xf32>,
        %get3A_361 = vector.shape_cast %get3A_360 : vector<1x16xf32> to vector<16xf32>
        %get3A_362 = arith.index_cast %scan3A_48 : i32 to index
        %get3A_363 = arith.constant 496 : index
        %get3A_364 = tpu.vector_load %arg11[%get3A_362, %get3A_363] {strides = array<i32>} : memref<32x768xf32, #tpu.memory_space<vmem>>, vector<1x16xf32>,
        %get3A_365 = vector.shape_cast %get3A_364 : vector<1x16xf32> to vector<16xf32>
        %mul3A_366 = arith.mulf %get3A_361, %get3A_365 : vector<16xf32>
        %add3A_367 = arith.addf %add3A_357, %mul3A_366 : vector<16xf32>
        %get3A_368 = arith.index_cast %scan3A_48 : i32 to index
        %get3A_369 = arith.constant 512 : index
        %get3A_370 = tpu.vector_load %arg10[%get3A_368, %get3A_369] {strides = array<i32>} : memref<32x768xf32, #tpu.memory_space<vmem>>, vector<1x16xf32>,
        %get3A_371 = vector.shape_cast %get3A_370 : vector<1x16xf32> to vector<16xf32>
        %get3A_372 = arith.index_cast %scan3A_48 : i32 to index
        %get3A_373 = arith.constant 512 : index
        %get3A_374 = tpu.vector_load %arg11[%get3A_372, %get3A_373] {strides = array<i32>} : memref<32x768xf32, #tpu.memory_space<vmem>>, vector<1x16xf32>,
        %get3A_375 = vector.shape_cast %get3A_374 : vector<1x16xf32> to vector<16xf32>
        %mul3A_376 = arith.mulf %get3A_371, %get3A_375 : vector<16xf32>
        %add3A_377 = arith.addf %add3A_367, %mul3A_376 : vector<16xf32>
        %get3A_378 = arith.index_cast %scan3A_48 : i32 to index
        %get3A_379 = arith.constant 528 : index
        %get3A_380 = tpu.vector_load %arg10[%get3A_378, %get3A_379] {strides = array<i32>} : memref<32x768xf32, #tpu.memory_space<vmem>>, vector<1x16xf32>,
        %get3A_381 = vector.shape_cast %get3A_380 : vector<1x16xf32> to vector<16xf32>
        %get3A_382 = arith.index_cast %scan3A_48 : i32 to index
        %get3A_383 = arith.constant 528 : index
        %get3A_384 = tpu.vector_load %arg11[%get3A_382, %get3A_383] {strides = array<i32>} : memref<32x768xf32, #tpu.memory_space<vmem>>, vector<1x16xf32>,
        %get3A_385 = vector.shape_cast %get3A_384 : vector<1x16xf32> to vector<16xf32>
        %mul3A_386 = arith.mulf %get3A_381, %get3A_385 : vector<16xf32>
        %add3A_387 = arith.addf %add3A_377, %mul3A_386 : vector<16xf32>
        %get3A_388 = arith.index_cast %scan3A_48 : i32 to index
        %get3A_389 = arith.constant 544 : index
        %get3A_390 = tpu.vector_load %arg10[%get3A_388, %get3A_389] {strides = array<i32>} : memref<32x768xf32, #tpu.memory_space<vmem>>, vector<1x16xf32>,
        %get3A_391 = vector.shape_cast %get3A_390 : vector<1x16xf32> to vector<16xf32>
        %get3A_392 = arith.index_cast %scan3A_48 : i32 to index
        %get3A_393 = arith.constant 544 : index
        %get3A_394 = tpu.vector_load %arg11[%get3A_392, %get3A_393] {strides = array<i32>} : memref<32x768xf32, #tpu.memory_space<vmem>>, vector<1x16xf32>,
        %get3A_395 = vector.shape_cast %get3A_394 : vector<1x16xf32> to vector<16xf32>
        %mul3A_396 = arith.mulf %get3A_391, %get3A_395 : vector<16xf32>
        %add3A_397 = arith.addf %add3A_387, %mul3A_396 : vector<16xf32>
        %get3A_398 = arith.index_cast %scan3A_48 : i32 to index
        %get3A_399 = arith.constant 560 : index
        %get3A_400 = tpu.vector_load %arg10[%get3A_398, %get3A_399] {strides = array<i32>} : memref<32x768xf32, #tpu.memory_space<vmem>>, vector<1x16xf32>,
        %get3A_401 = vector.shape_cast %get3A_400 : vector<1x16xf32> to vector<16xf32>
        %get3A_402 = arith.index_cast %scan3A_48 : i32 to index
        %get3A_403 = arith.constant 560 : index
        %get3A_404 = tpu.vector_load %arg11[%get3A_402, %get3A_403] {strides = array<i32>} : memref<32x768xf32, #tpu.memory_space<vmem>>, vector<1x16xf32>,
        %get3A_405 = vector.shape_cast %get3A_404 : vector<1x16xf32> to vector<16xf32>
        %mul3A_406 = arith.mulf %get3A_401, %get3A_405 : vector<16xf32>
        %add3A_407 = arith.addf %add3A_397, %mul3A_406 : vector<16xf32>
        %get3A_408 = arith.index_cast %scan3A_48 : i32 to index
        %get3A_409 = arith.constant 576 : index
        %get3A_410 = tpu.vector_load %arg10[%get3A_408, %get3A_409] {strides = array<i32>} : memref<32x768xf32, #tpu.memory_space<vmem>>, vector<1x16xf32>,
        %get3A_411 = vector.shape_cast %get3A_410 : vector<1x16xf32> to vector<16xf32>
        %get3A_412 = arith.index_cast %scan3A_48 : i32 to index
        %get3A_413 = arith.constant 576 : index
        %get3A_414 = tpu.vector_load %arg11[%get3A_412, %get3A_413] {strides = array<i32>} : memref<32x768xf32, #tpu.memory_space<vmem>>, vector<1x16xf32>,
        %get3A_415 = vector.shape_cast %get3A_414 : vector<1x16xf32> to vector<16xf32>
        %mul3A_416 = arith.mulf %get3A_411, %get3A_415 : vector<16xf32>
        %add3A_417 = arith.addf %add3A_407, %mul3A_416 : vector<16xf32>
        %get3A_418 = arith.index_cast %scan3A_48 : i32 to index
        %get3A_419 = arith.constant 592 : index
        %get3A_420 = tpu.vector_load %arg10[%get3A_418, %get3A_419] {strides = array<i32>} : memref<32x768xf32, #tpu.memory_space<vmem>>, vector<1x16xf32>,
        %get3A_421 = vector.shape_cast %get3A_420 : vector<1x16xf32> to vector<16xf32>
        %get3A_422 = arith.index_cast %scan3A_48 : i32 to index
        %get3A_423 = arith.constant 592 : index
        %get3A_424 = tpu.vector_load %arg11[%get3A_422, %get3A_423] {strides = array<i32>} : memref<32x768xf32, #tpu.memory_space<vmem>>, vector<1x16xf32>,
        %get3A_425 = vector.shape_cast %get3A_424 : vector<1x16xf32> to vector<16xf32>
        %mul3A_426 = arith.mulf %get3A_421, %get3A_425 : vector<16xf32>
        %add3A_427 = arith.addf %add3A_417, %mul3A_426 : vector<16xf32>
        %get3A_428 = arith.index_cast %scan3A_48 : i32 to index
        %get3A_429 = arith.constant 608 : index
        %get3A_430 = tpu.vector_load %arg10[%get3A_428, %get3A_429] {strides = array<i32>} : memref<32x768xf32, #tpu.memory_space<vmem>>, vector<1x16xf32>,
        %get3A_431 = vector.shape_cast %get3A_430 : vector<1x16xf32> to vector<16xf32>
        %get3A_432 = arith.index_cast %scan3A_48 : i32 to index
        %get3A_433 = arith.constant 608 : index
        %get3A_434 = tpu.vector_load %arg11[%get3A_432, %get3A_433] {strides = array<i32>} : memref<32x768xf32, #tpu.memory_space<vmem>>, vector<1x16xf32>,
        %get3A_435 = vector.shape_cast %get3A_434 : vector<1x16xf32> to vector<16xf32>
        %mul3A_436 = arith.mulf %get3A_431, %get3A_435 : vector<16xf32>
        %add3A_437 = arith.addf %add3A_427, %mul3A_436 : vector<16xf32>
        %get3A_438 = arith.index_cast %scan3A_48 : i32 to index
        %get3A_439 = arith.constant 624 : index
        %get3A_440 = tpu.vector_load %arg10[%get3A_438, %get3A_439] {strides = array<i32>} : memref<32x768xf32, #tpu.memory_space<vmem>>, vector<1x16xf32>,
        %get3A_441 = vector.shape_cast %get3A_440 : vector<1x16xf32> to vector<16xf32>
        %get3A_442 = arith.index_cast %scan3A_48 : i32 to index
        %get3A_443 = arith.constant 624 : index
        %get3A_444 = tpu.vector_load %arg11[%get3A_442, %get3A_443] {strides = array<i32>} : memref<32x768xf32, #tpu.memory_space<vmem>>, vector<1x16xf32>,
        %get3A_445 = vector.shape_cast %get3A_444 : vector<1x16xf32> to vector<16xf32>
        %mul3A_446 = arith.mulf %get3A_441, %get3A_445 : vector<16xf32>
        %add3A_447 = arith.addf %add3A_437, %mul3A_446 : vector<16xf32>
        %get3A_448 = arith.index_cast %scan3A_48 : i32 to index
        %get3A_449 = arith.constant 640 : index
        %get3A_450 = tpu.vector_load %arg10[%get3A_448, %get3A_449] {strides = array<i32>} : memref<32x768xf32, #tpu.memory_space<vmem>>, vector<1x16xf32>,
        %get3A_451 = vector.shape_cast %get3A_450 : vector<1x16xf32> to vector<16xf32>
        %get3A_452 = arith.index_cast %scan3A_48 : i32 to index
        %get3A_453 = arith.constant 640 : index
        %get3A_454 = tpu.vector_load %arg11[%get3A_452, %get3A_453] {strides = array<i32>} : memref<32x768xf32, #tpu.memory_space<vmem>>, vector<1x16xf32>,
        %get3A_455 = vector.shape_cast %get3A_454 : vector<1x16xf32> to vector<16xf32>
        %mul3A_456 = arith.mulf %get3A_451, %get3A_455 : vector<16xf32>
        %add3A_457 = arith.addf %add3A_447, %mul3A_456 : vector<16xf32>
        %get3A_458 = arith.index_cast %scan3A_48 : i32 to index
        %get3A_459 = arith.constant 656 : index
        %get3A_460 = tpu.vector_load %arg10[%get3A_458, %get3A_459] {strides = array<i32>} : memref<32x768xf32, #tpu.memory_space<vmem>>, vector<1x16xf32>,
        %get3A_461 = vector.shape_cast %get3A_460 : vector<1x16xf32> to vector<16xf32>
        %get3A_462 = arith.index_cast %scan3A_48 : i32 to index
        %get3A_463 = arith.constant 656 : index
        %get3A_464 = tpu.vector_load %arg11[%get3A_462, %get3A_463] {strides = array<i32>} : memref<32x768xf32, #tpu.memory_space<vmem>>, vector<1x16xf32>,
        %get3A_465 = vector.shape_cast %get3A_464 : vector<1x16xf32> to vector<16xf32>
        %mul3A_466 = arith.mulf %get3A_461, %get3A_465 : vector<16xf32>
        %add3A_467 = arith.addf %add3A_457, %mul3A_466 : vector<16xf32>
        %get3A_468 = arith.index_cast %scan3A_48 : i32 to index
        %get3A_469 = arith.constant 672 : index
        %get3A_470 = tpu.vector_load %arg10[%get3A_468, %get3A_469] {strides = array<i32>} : memref<32x768xf32, #tpu.memory_space<vmem>>, vector<1x16xf32>,
        %get3A_471 = vector.shape_cast %get3A_470 : vector<1x16xf32> to vector<16xf32>
        %get3A_472 = arith.index_cast %scan3A_48 : i32 to index
        %get3A_473 = arith.constant 672 : index
        %get3A_474 = tpu.vector_load %arg11[%get3A_472, %get3A_473] {strides = array<i32>} : memref<32x768xf32, #tpu.memory_space<vmem>>, vector<1x16xf32>,
        %get3A_475 = vector.shape_cast %get3A_474 : vector<1x16xf32> to vector<16xf32>
        %mul3A_476 = arith.mulf %get3A_471, %get3A_475 : vector<16xf32>
        %add3A_477 = arith.addf %add3A_467, %mul3A_476 : vector<16xf32>
        %get3A_478 = arith.index_cast %scan3A_48 : i32 to index
        %get3A_479 = arith.constant 688 : index
        %get3A_480 = tpu.vector_load %arg10[%get3A_478, %get3A_479] {strides = array<i32>} : memref<32x768xf32, #tpu.memory_space<vmem>>, vector<1x16xf32>,
        %get3A_481 = vector.shape_cast %get3A_480 : vector<1x16xf32> to vector<16xf32>
        %get3A_482 = arith.index_cast %scan3A_48 : i32 to index
        %get3A_483 = arith.constant 688 : index
        %get3A_484 = tpu.vector_load %arg11[%get3A_482, %get3A_483] {strides = array<i32>} : memref<32x768xf32, #tpu.memory_space<vmem>>, vector<1x16xf32>,
        %get3A_485 = vector.shape_cast %get3A_484 : vector<1x16xf32> to vector<16xf32>
        %mul3A_486 = arith.mulf %get3A_481, %get3A_485 : vector<16xf32>
        %add3A_487 = arith.addf %add3A_477, %mul3A_486 : vector<16xf32>
        %get3A_488 = arith.index_cast %scan3A_48 : i32 to index
        %get3A_489 = arith.constant 704 : index
        %get3A_490 = tpu.vector_load %arg10[%get3A_488, %get3A_489] {strides = array<i32>} : memref<32x768xf32, #tpu.memory_space<vmem>>, vector<1x16xf32>,
        %get3A_491 = vector.shape_cast %get3A_490 : vector<1x16xf32> to vector<16xf32>
        %get3A_492 = arith.index_cast %scan3A_48 : i32 to index
        %get3A_493 = arith.constant 704 : index
        %get3A_494 = tpu.vector_load %arg11[%get3A_492, %get3A_493] {strides = array<i32>} : memref<32x768xf32, #tpu.memory_space<vmem>>, vector<1x16xf32>,
        %get3A_495 = vector.shape_cast %get3A_494 : vector<1x16xf32> to vector<16xf32>
        %mul3A_496 = arith.mulf %get3A_491, %get3A_495 : vector<16xf32>
        %add3A_497 = arith.addf %add3A_487, %mul3A_496 : vector<16xf32>
        %get3A_498 = arith.index_cast %scan3A_48 : i32 to index
        %get3A_499 = arith.constant 720 : index
        %get3A_500 = tpu.vector_load %arg10[%get3A_498, %get3A_499] {strides = array<i32>} : memref<32x768xf32, #tpu.memory_space<vmem>>, vector<1x16xf32>,
        %get3A_501 = vector.shape_cast %get3A_500 : vector<1x16xf32> to vector<16xf32>
        %get3A_502 = arith.index_cast %scan3A_48 : i32 to index
        %get3A_503 = arith.constant 720 : index
        %get3A_504 = tpu.vector_load %arg11[%get3A_502, %get3A_503] {strides = array<i32>} : memref<32x768xf32, #tpu.memory_space<vmem>>, vector<1x16xf32>,
        %get3A_505 = vector.shape_cast %get3A_504 : vector<1x16xf32> to vector<16xf32>
        %mul3A_506 = arith.mulf %get3A_501, %get3A_505 : vector<16xf32>
        %add3A_507 = arith.addf %add3A_497, %mul3A_506 : vector<16xf32>
        %get3A_508 = arith.index_cast %scan3A_48 : i32 to index
        %get3A_509 = arith.constant 736 : index
        %get3A_510 = tpu.vector_load %arg10[%get3A_508, %get3A_509] {strides = array<i32>} : memref<32x768xf32, #tpu.memory_space<vmem>>, vector<1x16xf32>,
        %get3A_511 = vector.shape_cast %get3A_510 : vector<1x16xf32> to vector<16xf32>
        %get3A_512 = arith.index_cast %scan3A_48 : i32 to index
        %get3A_513 = arith.constant 736 : index
        %get3A_514 = tpu.vector_load %arg11[%get3A_512, %get3A_513] {strides = array<i32>} : memref<32x768xf32, #tpu.memory_space<vmem>>, vector<1x16xf32>,
        %get3A_515 = vector.shape_cast %get3A_514 : vector<1x16xf32> to vector<16xf32>
        %mul3A_516 = arith.mulf %get3A_511, %get3A_515 : vector<16xf32>
        %add3A_517 = arith.addf %add3A_507, %mul3A_516 : vector<16xf32>
        %get3A_518 = arith.index_cast %scan3A_48 : i32 to index
        %get3A_519 = arith.constant 752 : index
        %get3A_520 = tpu.vector_load %arg10[%get3A_518, %get3A_519] {strides = array<i32>} : memref<32x768xf32, #tpu.memory_space<vmem>>, vector<1x16xf32>,
        %get3A_521 = vector.shape_cast %get3A_520 : vector<1x16xf32> to vector<16xf32>
        %get3A_522 = arith.index_cast %scan3A_48 : i32 to index
        %get3A_523 = arith.constant 752 : index
        %get3A_524 = tpu.vector_load %arg11[%get3A_522, %get3A_523] {strides = array<i32>} : memref<32x768xf32, #tpu.memory_space<vmem>>, vector<1x16xf32>,
        %get3A_525 = vector.shape_cast %get3A_524 : vector<1x16xf32> to vector<16xf32>
        %mul3A_526 = arith.mulf %get3A_521, %get3A_525 : vector<16xf32>
        %add3A_527 = arith.addf %add3A_517, %mul3A_526 : vector<16xf32>
        %add3A_528 = arith.addf %scan3A_49, %add3A_527 : vector<16xf32>
        scf.yield %add3A_528 : vector<16xf32>
      }
      %scan3A_47 = arith.constant 32 : i32
      scf.yield %scan3A_46 : vector<16xf32>
    }
    %scan3A_8 = arith.constant 16 : i32
    %swap3A = arith.constant 0 : index
    %swap3A_9 = tpu.vector_load %arg13[%swap3A] {strides = array<i32>} : memref<16xf32, #tpu.memory_space<vmem>>, vector<16xf32>,
    %swap3A_10 = vector.shape_cast %swap3A_9 : vector<16xf32> to vector<16xf32>
    %swap3A_11 = vector.shape_cast %scan3A_7 : vector<16xf32> to vector<16xf32>
    tpu.vector_store %arg13[%swap3A], %swap3A_11 {strides = array<i32>} : memref<16xf32, #tpu.memory_space<vmem>>, vector<16xf32>,
    "tpu.region"() ({
      %run_scoped3A = tpu.sem_alloc : memref<!tpu.dma_semaphore, #tpu.memory_space<semaphore_mem>>
      %dma_start3A = arith.constant 0 : i32
      %dma_start3A_24 = tpu.memref_slice %arg6[%add3A, %dma_start3A] : memref<32x16xf32, #tpu.memory_space<hbm>> -> memref<1x16xf32, #tpu.memory_space<hbm>>
      %dma_start3A_25 = tpu.memref_squeeze %dma_start3A_24 : memref<1x16xf32, #tpu.memory_space<hbm>> -> memref<16xf32, #tpu.memory_space<hbm>>
      %dma_start3A_26 = arith.constant 0 : i32
      %dma_start3A_27 = tpu.memref_slice %arg6[%add3A, %dma_start3A_26] : memref<32x16xf32, #tpu.memory_space<hbm>> -> memref<1x16xf32, #tpu.memory_space<hbm>>
      %dma_start3A_28 = tpu.memref_squeeze %dma_start3A_27 : memref<1x16xf32, #tpu.memory_space<hbm>> -> memref<16xf32, #tpu.memory_space<hbm>>
      tpu.enqueue_dma source(%arg13 : memref<16xf32, #tpu.memory_space<vmem>>) target(%dma_start3A_28 : memref<16xf32, #tpu.memory_space<hbm>>) target_semaphore(%run_scoped3A : memref<!tpu.dma_semaphore, #tpu.memory_space<semaphore_mem>>)
      %dma_wait3A = arith.constant 0 : i32
      %dma_wait3A_29 = tpu.memref_slice %arg6[%add3A, %dma_wait3A] : memref<32x16xf32, #tpu.memory_space<hbm>> -> memref<1x16xf32, #tpu.memory_space<hbm>>
      %dma_wait3A_30 = tpu.memref_squeeze %dma_wait3A_29 : memref<1x16xf32, #tpu.memory_space<hbm>> -> memref<16xf32, #tpu.memory_space<hbm>>
      %dma_wait3A_31 = arith.constant 0 : i32
      %dma_wait3A_32 = tpu.memref_slice %arg6[%add3A, %dma_wait3A_31] : memref<32x16xf32, #tpu.memory_space<hbm>> -> memref<1x16xf32, #tpu.memory_space<hbm>>
      %dma_wait3A_33 = tpu.memref_squeeze %dma_wait3A_32 : memref<1x16xf32, #tpu.memory_space<hbm>> -> memref<16xf32, #tpu.memory_space<hbm>>
      tpu.wait_dma2 semaphore(%run_scoped3A : memref<!tpu.dma_semaphore, #tpu.memory_space<semaphore_mem>>) src(%arg13 : memref<16xf32, #tpu.memory_space<vmem>>) dst(%dma_wait3A_33 : memref<16xf32, #tpu.memory_space<hbm>>)
      tpu.yield
    }) : () -> ()
    %mul3A_12 = arith.constant 256 : i32
    %mul3A_13 = arith.muli %add3A, %mul3A_12 : i32
    %add3A_14 = arith.constant 16384 : i32
    %add3A_15 = arith.addi %add3A_14, %mul3A_13 : i32
    "tpu.region"() ({
      %run_scoped3A = tpu.sem_alloc : memref<!tpu.dma_semaphore, #tpu.memory_space<semaphore_mem>>
      %dma_start3A = arith.constant 0 : i32
      %dma_start3A_24 = tpu.memref_slice %arg8[%dma_start3A] : memref<512xi32, #tpu.memory_space<vmem>> -> memref<256xi32, #tpu.memory_space<vmem>>
      %dma_start3A_25 = tpu.memref_slice %arg4[%add3A_15] : memref<24576xi32, #tpu.memory_space<hbm>> -> memref<256xi32, #tpu.memory_space<hbm>>
      %dma_start3A_26 = arith.constant 0 : i32
      %dma_start3A_27 = tpu.memref_slice %arg8[%dma_start3A_26] : memref<512xi32, #tpu.memory_space<vmem>> -> memref<256xi32, #tpu.memory_space<vmem>>
      %dma_start3A_28 = tpu.memref_slice %arg4[%add3A_15] : memref<24576xi32, #tpu.memory_space<hbm>> -> memref<256xi32, #tpu.memory_space<hbm>>
      tpu.enqueue_dma source(%dma_start3A_28 : memref<256xi32, #tpu.memory_space<hbm>>) target(%dma_start3A_27 : memref<256xi32, #tpu.memory_space<vmem>>) target_semaphore(%run_scoped3A : memref<!tpu.dma_semaphore, #tpu.memory_space<semaphore_mem>>)
      %dma_wait3A = arith.constant 0 : i32
      %dma_wait3A_29 = tpu.memref_slice %arg8[%dma_wait3A] : memref<512xi32, #tpu.memory_space<vmem>> -> memref<256xi32, #tpu.memory_space<vmem>>
      %dma_wait3A_30 = tpu.memref_slice %arg4[%add3A_15] : memref<24576xi32, #tpu.memory_space<hbm>> -> memref<256xi32, #tpu.memory_space<hbm>>
      %dma_wait3A_31 = arith.constant 0 : i32
      %dma_wait3A_32 = tpu.memref_slice %arg8[%dma_wait3A_31] : memref<512xi32, #tpu.memory_space<vmem>> -> memref<256xi32, #tpu.memory_space<vmem>>
      %dma_wait3A_33 = tpu.memref_slice %arg4[%add3A_15] : memref<24576xi32, #tpu.memory_space<hbm>> -> memref<256xi32, #tpu.memory_space<hbm>>
      tpu.wait_dma2 semaphore(%run_scoped3A : memref<!tpu.dma_semaphore, #tpu.memory_space<semaphore_mem>>) src(%dma_wait3A_33 : memref<256xi32, #tpu.memory_space<hbm>>) dst(%dma_wait3A_32 : memref<256xi32, #tpu.memory_space<vmem>>)
      tpu.yield
    }) : () -> ()
    "tpu.region"() ({
      %run_scoped3A = tpu.sem_alloc : memref<!tpu.dma_semaphore, #tpu.memory_space<semaphore_mem>>
      %dma_start3A = arith.constant 0 : i32
      %dma_start3A_24 = tpu.memref_slice %arg9[%dma_start3A] : memref<512xi32, #tpu.memory_space<vmem>> -> memref<256xi32, #tpu.memory_space<vmem>>
      %dma_start3A_25 = tpu.memref_slice %arg5[%add3A_15] : memref<24576xi32, #tpu.memory_space<hbm>> -> memref<256xi32, #tpu.memory_space<hbm>>
      %dma_start3A_26 = arith.constant 0 : i32
      %dma_start3A_27 = tpu.memref_slice %arg9[%dma_start3A_26] : memref<512xi32, #tpu.memory_space<vmem>> -> memref<256xi32, #tpu.memory_space<vmem>>
      %dma_start3A_28 = tpu.memref_slice %arg5[%add3A_15] : memref<24576xi32, #tpu.memory_space<hbm>> -> memref<256xi32, #tpu.memory_space<hbm>>
      tpu.enqueue_dma source(%dma_start3A_28 : memref<256xi32, #tpu.memory_space<hbm>>) target(%dma_start3A_27 : memref<256xi32, #tpu.memory_space<vmem>>) target_semaphore(%run_scoped3A : memref<!tpu.dma_semaphore, #tpu.memory_space<semaphore_mem>>)
      %dma_wait3A = arith.constant 0 : i32
      %dma_wait3A_29 = tpu.memref_slice %arg9[%dma_wait3A] : memref<512xi32, #tpu.memory_space<vmem>> -> memref<256xi32, #tpu.memory_space<vmem>>
      %dma_wait3A_30 = tpu.memref_slice %arg5[%add3A_15] : memref<24576xi32, #tpu.memory_space<hbm>> -> memref<256xi32, #tpu.memory_space<hbm>>
      %dma_wait3A_31 = arith.constant 0 : i32
      %dma_wait3A_32 = tpu.memref_slice %arg9[%dma_wait3A_31] : memref<512xi32, #tpu.memory_space<vmem>> -> memref<256xi32, #tpu.memory_space<vmem>>
      %dma_wait3A_33 = tpu.memref_slice %arg5[%add3A_15] : memref<24576xi32, #tpu.memory_space<hbm>> -> memref<256xi32, #tpu.memory_space<hbm>>
      tpu.wait_dma2 semaphore(%run_scoped3A : memref<!tpu.dma_semaphore, #tpu.memory_space<semaphore_mem>>) src(%dma_wait3A_33 : memref<256xi32, #tpu.memory_space<hbm>>) dst(%dma_wait3A_32 : memref<256xi32, #tpu.memory_space<vmem>>)
      tpu.yield
    }) : () -> ()
    %scan3A_16 = arith.constant 0 : i32
    %scan3A_17 = arith.constant 0 : i32
    %scan3A_18 = arith.constant 8 : i32
    %scan3A_19 = arith.addi %scan3A_17, %scan3A_18 : i32
    %scan3A_20 = arith.constant 1 : i32
    scf.for %scan3A_24 = %scan3A_17 to %scan3A_19 step %scan3A_20  : i32 {
      %mul3A_25 = arith.constant 32 : i32
      %mul3A_26 = arith.muli %scan3A_24, %mul3A_25 : i32
      %dma_start3A = tpu.memref_slice %arg8[%mul3A_26] : memref<512xi32, #tpu.memory_space<vmem>> -> memref<32xi32, #tpu.memory_space<vmem>>
      %dma_start3A_27 = arith.constant 0 : i32
      %dma_start3A_28 = arith.constant 0 : i32
      %dma_start3A_29 = tpu.memref_slice %arg2[%dma_start3A_27, %dma_start3A_28] : memref<8192x768xf32, #tpu.memory_space<hbm>> -> memref<8192x768xf32, #tpu.memory_space<hbm>>
      tpu.enqueue_indirect_dma source(%dma_start3A_29 : memref<8192x768xf32, #tpu.memory_space<hbm>>) target(%arg10 : memref<32x768xf32, #tpu.memory_space<vmem>>) offsets(%dma_start3A : memref<32xi32, #tpu.memory_space<vmem>>) semaphore(%arg14 : memref<!tpu.dma_semaphore, #tpu.memory_space<semaphore_mem>>)
      %dma_start3A_30 = tpu.memref_slice %arg9[%mul3A_26] : memref<512xi32, #tpu.memory_space<vmem>> -> memref<32xi32, #tpu.memory_space<vmem>>
      %dma_start3A_31 = arith.constant 0 : i32
      %dma_start3A_32 = arith.constant 0 : i32
      %dma_start3A_33 = tpu.memref_slice %arg3[%dma_start3A_31, %dma_start3A_32] : memref<4096x768xf32, #tpu.memory_space<hbm>> -> memref<4096x768xf32, #tpu.memory_space<hbm>>
      tpu.enqueue_indirect_dma source(%dma_start3A_33 : memref<4096x768xf32, #tpu.memory_space<hbm>>) target(%arg11 : memref<32x768xf32, #tpu.memory_space<vmem>>) offsets(%dma_start3A_30 : memref<32xi32, #tpu.memory_space<vmem>>) semaphore(%arg15 : memref<!tpu.dma_semaphore, #tpu.memory_space<semaphore_mem>>)
      %dma_wait3A = tpu.memref_slice %arg8[%mul3A_26] : memref<512xi32, #tpu.memory_space<vmem>> -> memref<32xi32, #tpu.memory_space<vmem>>
      %dma_wait3A_34 = arith.constant 0 : i32
      %dma_wait3A_35 = arith.constant 0 : i32
      %dma_wait3A_36 = tpu.memref_slice %arg2[%dma_wait3A_34, %dma_wait3A_35] : memref<8192x768xf32, #tpu.memory_space<hbm>> -> memref<8192x768xf32, #tpu.memory_space<hbm>>
      tpu.wait_indirect_dma semaphore(%arg14 : memref<!tpu.dma_semaphore, #tpu.memory_space<semaphore_mem>>) src(%dma_wait3A_36 : memref<8192x768xf32, #tpu.memory_space<hbm>>) dst(%arg10 : memref<32x768xf32, #tpu.memory_space<vmem>>)
      %dma_wait3A_37 = tpu.memref_slice %arg9[%mul3A_26] : memref<512xi32, #tpu.memory_space<vmem>> -> memref<32xi32, #tpu.memory_space<vmem>>
      %dma_wait3A_38 = arith.constant 0 : i32
      %dma_wait3A_39 = arith.constant 0 : i32
      %dma_wait3A_40 = tpu.memref_slice %arg3[%dma_wait3A_38, %dma_wait3A_39] : memref<4096x768xf32, #tpu.memory_space<hbm>> -> memref<4096x768xf32, #tpu.memory_space<hbm>>
      tpu.wait_indirect_dma semaphore(%arg15 : memref<!tpu.dma_semaphore, #tpu.memory_space<semaphore_mem>>) src(%dma_wait3A_40 : memref<4096x768xf32, #tpu.memory_space<hbm>>) dst(%arg11 : memref<32x768xf32, #tpu.memory_space<vmem>>)
      %scan3A_41 = arith.constant 0 : i32
      %scan3A_42 = arith.constant 0 : i32
      %scan3A_43 = arith.constant 32 : i32
      %scan3A_44 = arith.addi %scan3A_42, %scan3A_43 : i32
      %scan3A_45 = arith.constant 1 : i32
      scf.for %scan3A_47 = %scan3A_42 to %scan3A_44 step %scan3A_45  : i32 {
        %get3A = arith.index_cast %scan3A_47 : i32 to index
        %get3A_48 = arith.constant 0 : index
        %get3A_49 = tpu.vector_load %arg10[%get3A, %get3A_48] {strides = array<i32>} : memref<32x768xf32, #tpu.memory_space<vmem>>, vector<1x16xf32>,
        %get3A_50 = vector.shape_cast %get3A_49 : vector<1x16xf32> to vector<16xf32>
        %get3A_51 = arith.index_cast %scan3A_47 : i32 to index
        %get3A_52 = arith.constant 0 : index
        %get3A_53 = tpu.vector_load %arg11[%get3A_51, %get3A_52] {strides = array<i32>} : memref<32x768xf32, #tpu.memory_space<vmem>>, vector<1x16xf32>,
        %get3A_54 = vector.shape_cast %get3A_53 : vector<1x16xf32> to vector<16xf32>
        %mul3A_55 = arith.mulf %get3A_50, %get3A_54 : vector<16xf32>
        %get3A_56 = arith.index_cast %scan3A_47 : i32 to index
        %get3A_57 = arith.constant 16 : index
        %get3A_58 = tpu.vector_load %arg10[%get3A_56, %get3A_57] {strides = array<i32>} : memref<32x768xf32, #tpu.memory_space<vmem>>, vector<1x16xf32>,
        %get3A_59 = vector.shape_cast %get3A_58 : vector<1x16xf32> to vector<16xf32>
        %get3A_60 = arith.index_cast %scan3A_47 : i32 to index
        %get3A_61 = arith.constant 16 : index
        %get3A_62 = tpu.vector_load %arg11[%get3A_60, %get3A_61] {strides = array<i32>} : memref<32x768xf32, #tpu.memory_space<vmem>>, vector<1x16xf32>,
        %get3A_63 = vector.shape_cast %get3A_62 : vector<1x16xf32> to vector<16xf32>
        %mul3A_64 = arith.mulf %get3A_59, %get3A_63 : vector<16xf32>
        %add3A_65 = arith.addf %mul3A_55, %mul3A_64 : vector<16xf32>
        %get3A_66 = arith.index_cast %scan3A_47 : i32 to index
        %get3A_67 = arith.constant 32 : index
        %get3A_68 = tpu.vector_load %arg10[%get3A_66, %get3A_67] {strides = array<i32>} : memref<32x768xf32, #tpu.memory_space<vmem>>, vector<1x16xf32>,
        %get3A_69 = vector.shape_cast %get3A_68 : vector<1x16xf32> to vector<16xf32>
        %get3A_70 = arith.index_cast %scan3A_47 : i32 to index
        %get3A_71 = arith.constant 32 : index
        %get3A_72 = tpu.vector_load %arg11[%get3A_70, %get3A_71] {strides = array<i32>} : memref<32x768xf32, #tpu.memory_space<vmem>>, vector<1x16xf32>,
        %get3A_73 = vector.shape_cast %get3A_72 : vector<1x16xf32> to vector<16xf32>
        %mul3A_74 = arith.mulf %get3A_69, %get3A_73 : vector<16xf32>
        %add3A_75 = arith.addf %add3A_65, %mul3A_74 : vector<16xf32>
        %get3A_76 = arith.index_cast %scan3A_47 : i32 to index
        %get3A_77 = arith.constant 48 : index
        %get3A_78 = tpu.vector_load %arg10[%get3A_76, %get3A_77] {strides = array<i32>} : memref<32x768xf32, #tpu.memory_space<vmem>>, vector<1x16xf32>,
        %get3A_79 = vector.shape_cast %get3A_78 : vector<1x16xf32> to vector<16xf32>
        %get3A_80 = arith.index_cast %scan3A_47 : i32 to index
        %get3A_81 = arith.constant 48 : index
        %get3A_82 = tpu.vector_load %arg11[%get3A_80, %get3A_81] {strides = array<i32>} : memref<32x768xf32, #tpu.memory_space<vmem>>, vector<1x16xf32>,
        %get3A_83 = vector.shape_cast %get3A_82 : vector<1x16xf32> to vector<16xf32>
        %mul3A_84 = arith.mulf %get3A_79, %get3A_83 : vector<16xf32>
        %add3A_85 = arith.addf %add3A_75, %mul3A_84 : vector<16xf32>
        %get3A_86 = arith.index_cast %scan3A_47 : i32 to index
        %get3A_87 = arith.constant 64 : index
        %get3A_88 = tpu.vector_load %arg10[%get3A_86, %get3A_87] {strides = array<i32>} : memref<32x768xf32, #tpu.memory_space<vmem>>, vector<1x16xf32>,
        %get3A_89 = vector.shape_cast %get3A_88 : vector<1x16xf32> to vector<16xf32>
        %get3A_90 = arith.index_cast %scan3A_47 : i32 to index
        %get3A_91 = arith.constant 64 : index
        %get3A_92 = tpu.vector_load %arg11[%get3A_90, %get3A_91] {strides = array<i32>} : memref<32x768xf32, #tpu.memory_space<vmem>>, vector<1x16xf32>,
        %get3A_93 = vector.shape_cast %get3A_92 : vector<1x16xf32> to vector<16xf32>
        %mul3A_94 = arith.mulf %get3A_89, %get3A_93 : vector<16xf32>
        %add3A_95 = arith.addf %add3A_85, %mul3A_94 : vector<16xf32>
        %get3A_96 = arith.index_cast %scan3A_47 : i32 to index
        %get3A_97 = arith.constant 80 : index
        %get3A_98 = tpu.vector_load %arg10[%get3A_96, %get3A_97] {strides = array<i32>} : memref<32x768xf32, #tpu.memory_space<vmem>>, vector<1x16xf32>,
        %get3A_99 = vector.shape_cast %get3A_98 : vector<1x16xf32> to vector<16xf32>
        %get3A_100 = arith.index_cast %scan3A_47 : i32 to index
        %get3A_101 = arith.constant 80 : index
        %get3A_102 = tpu.vector_load %arg11[%get3A_100, %get3A_101] {strides = array<i32>} : memref<32x768xf32, #tpu.memory_space<vmem>>, vector<1x16xf32>,
        %get3A_103 = vector.shape_cast %get3A_102 : vector<1x16xf32> to vector<16xf32>
        %mul3A_104 = arith.mulf %get3A_99, %get3A_103 : vector<16xf32>
        %add3A_105 = arith.addf %add3A_95, %mul3A_104 : vector<16xf32>
        %get3A_106 = arith.index_cast %scan3A_47 : i32 to index
        %get3A_107 = arith.constant 96 : index
        %get3A_108 = tpu.vector_load %arg10[%get3A_106, %get3A_107] {strides = array<i32>} : memref<32x768xf32, #tpu.memory_space<vmem>>, vector<1x16xf32>,
        %get3A_109 = vector.shape_cast %get3A_108 : vector<1x16xf32> to vector<16xf32>
        %get3A_110 = arith.index_cast %scan3A_47 : i32 to index
        %get3A_111 = arith.constant 96 : index
        %get3A_112 = tpu.vector_load %arg11[%get3A_110, %get3A_111] {strides = array<i32>} : memref<32x768xf32, #tpu.memory_space<vmem>>, vector<1x16xf32>,
        %get3A_113 = vector.shape_cast %get3A_112 : vector<1x16xf32> to vector<16xf32>
        %mul3A_114 = arith.mulf %get3A_109, %get3A_113 : vector<16xf32>
        %add3A_115 = arith.addf %add3A_105, %mul3A_114 : vector<16xf32>
        %get3A_116 = arith.index_cast %scan3A_47 : i32 to index
        %get3A_117 = arith.constant 112 : index
        %get3A_118 = tpu.vector_load %arg10[%get3A_116, %get3A_117] {strides = array<i32>} : memref<32x768xf32, #tpu.memory_space<vmem>>, vector<1x16xf32>,
        %get3A_119 = vector.shape_cast %get3A_118 : vector<1x16xf32> to vector<16xf32>
        %get3A_120 = arith.index_cast %scan3A_47 : i32 to index
        %get3A_121 = arith.constant 112 : index
        %get3A_122 = tpu.vector_load %arg11[%get3A_120, %get3A_121] {strides = array<i32>} : memref<32x768xf32, #tpu.memory_space<vmem>>, vector<1x16xf32>,
        %get3A_123 = vector.shape_cast %get3A_122 : vector<1x16xf32> to vector<16xf32>
        %mul3A_124 = arith.mulf %get3A_119, %get3A_123 : vector<16xf32>
        %add3A_125 = arith.addf %add3A_115, %mul3A_124 : vector<16xf32>
        %get3A_126 = arith.index_cast %scan3A_47 : i32 to index
        %get3A_127 = arith.constant 128 : index
        %get3A_128 = tpu.vector_load %arg10[%get3A_126, %get3A_127] {strides = array<i32>} : memref<32x768xf32, #tpu.memory_space<vmem>>, vector<1x16xf32>,
        %get3A_129 = vector.shape_cast %get3A_128 : vector<1x16xf32> to vector<16xf32>
        %get3A_130 = arith.index_cast %scan3A_47 : i32 to index
        %get3A_131 = arith.constant 128 : index
        %get3A_132 = tpu.vector_load %arg11[%get3A_130, %get3A_131] {strides = array<i32>} : memref<32x768xf32, #tpu.memory_space<vmem>>, vector<1x16xf32>,
        %get3A_133 = vector.shape_cast %get3A_132 : vector<1x16xf32> to vector<16xf32>
        %mul3A_134 = arith.mulf %get3A_129, %get3A_133 : vector<16xf32>
        %add3A_135 = arith.addf %add3A_125, %mul3A_134 : vector<16xf32>
        %get3A_136 = arith.index_cast %scan3A_47 : i32 to index
        %get3A_137 = arith.constant 144 : index
        %get3A_138 = tpu.vector_load %arg10[%get3A_136, %get3A_137] {strides = array<i32>} : memref<32x768xf32, #tpu.memory_space<vmem>>, vector<1x16xf32>,
        %get3A_139 = vector.shape_cast %get3A_138 : vector<1x16xf32> to vector<16xf32>
        %get3A_140 = arith.index_cast %scan3A_47 : i32 to index
        %get3A_141 = arith.constant 144 : index
        %get3A_142 = tpu.vector_load %arg11[%get3A_140, %get3A_141] {strides = array<i32>} : memref<32x768xf32, #tpu.memory_space<vmem>>, vector<1x16xf32>,
        %get3A_143 = vector.shape_cast %get3A_142 : vector<1x16xf32> to vector<16xf32>
        %mul3A_144 = arith.mulf %get3A_139, %get3A_143 : vector<16xf32>
        %add3A_145 = arith.addf %add3A_135, %mul3A_144 : vector<16xf32>
        %get3A_146 = arith.index_cast %scan3A_47 : i32 to index
        %get3A_147 = arith.constant 160 : index
        %get3A_148 = tpu.vector_load %arg10[%get3A_146, %get3A_147] {strides = array<i32>} : memref<32x768xf32, #tpu.memory_space<vmem>>, vector<1x16xf32>,
        %get3A_149 = vector.shape_cast %get3A_148 : vector<1x16xf32> to vector<16xf32>
        %get3A_150 = arith.index_cast %scan3A_47 : i32 to index
        %get3A_151 = arith.constant 160 : index
        %get3A_152 = tpu.vector_load %arg11[%get3A_150, %get3A_151] {strides = array<i32>} : memref<32x768xf32, #tpu.memory_space<vmem>>, vector<1x16xf32>,
        %get3A_153 = vector.shape_cast %get3A_152 : vector<1x16xf32> to vector<16xf32>
        %mul3A_154 = arith.mulf %get3A_149, %get3A_153 : vector<16xf32>
        %add3A_155 = arith.addf %add3A_145, %mul3A_154 : vector<16xf32>
        %get3A_156 = arith.index_cast %scan3A_47 : i32 to index
        %get3A_157 = arith.constant 176 : index
        %get3A_158 = tpu.vector_load %arg10[%get3A_156, %get3A_157] {strides = array<i32>} : memref<32x768xf32, #tpu.memory_space<vmem>>, vector<1x16xf32>,
        %get3A_159 = vector.shape_cast %get3A_158 : vector<1x16xf32> to vector<16xf32>
        %get3A_160 = arith.index_cast %scan3A_47 : i32 to index
        %get3A_161 = arith.constant 176 : index
        %get3A_162 = tpu.vector_load %arg11[%get3A_160, %get3A_161] {strides = array<i32>} : memref<32x768xf32, #tpu.memory_space<vmem>>, vector<1x16xf32>,
        %get3A_163 = vector.shape_cast %get3A_162 : vector<1x16xf32> to vector<16xf32>
        %mul3A_164 = arith.mulf %get3A_159, %get3A_163 : vector<16xf32>
        %add3A_165 = arith.addf %add3A_155, %mul3A_164 : vector<16xf32>
        %get3A_166 = arith.index_cast %scan3A_47 : i32 to index
        %get3A_167 = arith.constant 192 : index
        %get3A_168 = tpu.vector_load %arg10[%get3A_166, %get3A_167] {strides = array<i32>} : memref<32x768xf32, #tpu.memory_space<vmem>>, vector<1x16xf32>,
        %get3A_169 = vector.shape_cast %get3A_168 : vector<1x16xf32> to vector<16xf32>
        %get3A_170 = arith.index_cast %scan3A_47 : i32 to index
        %get3A_171 = arith.constant 192 : index
        %get3A_172 = tpu.vector_load %arg11[%get3A_170, %get3A_171] {strides = array<i32>} : memref<32x768xf32, #tpu.memory_space<vmem>>, vector<1x16xf32>,
        %get3A_173 = vector.shape_cast %get3A_172 : vector<1x16xf32> to vector<16xf32>
        %mul3A_174 = arith.mulf %get3A_169, %get3A_173 : vector<16xf32>
        %add3A_175 = arith.addf %add3A_165, %mul3A_174 : vector<16xf32>
        %get3A_176 = arith.index_cast %scan3A_47 : i32 to index
        %get3A_177 = arith.constant 208 : index
        %get3A_178 = tpu.vector_load %arg10[%get3A_176, %get3A_177] {strides = array<i32>} : memref<32x768xf32, #tpu.memory_space<vmem>>, vector<1x16xf32>,
        %get3A_179 = vector.shape_cast %get3A_178 : vector<1x16xf32> to vector<16xf32>
        %get3A_180 = arith.index_cast %scan3A_47 : i32 to index
        %get3A_181 = arith.constant 208 : index
        %get3A_182 = tpu.vector_load %arg11[%get3A_180, %get3A_181] {strides = array<i32>} : memref<32x768xf32, #tpu.memory_space<vmem>>, vector<1x16xf32>,
        %get3A_183 = vector.shape_cast %get3A_182 : vector<1x16xf32> to vector<16xf32>
        %mul3A_184 = arith.mulf %get3A_179, %get3A_183 : vector<16xf32>
        %add3A_185 = arith.addf %add3A_175, %mul3A_184 : vector<16xf32>
        %get3A_186 = arith.index_cast %scan3A_47 : i32 to index
        %get3A_187 = arith.constant 224 : index
        %get3A_188 = tpu.vector_load %arg10[%get3A_186, %get3A_187] {strides = array<i32>} : memref<32x768xf32, #tpu.memory_space<vmem>>, vector<1x16xf32>,
        %get3A_189 = vector.shape_cast %get3A_188 : vector<1x16xf32> to vector<16xf32>
        %get3A_190 = arith.index_cast %scan3A_47 : i32 to index
        %get3A_191 = arith.constant 224 : index
        %get3A_192 = tpu.vector_load %arg11[%get3A_190, %get3A_191] {strides = array<i32>} : memref<32x768xf32, #tpu.memory_space<vmem>>, vector<1x16xf32>,
        %get3A_193 = vector.shape_cast %get3A_192 : vector<1x16xf32> to vector<16xf32>
        %mul3A_194 = arith.mulf %get3A_189, %get3A_193 : vector<16xf32>
        %add3A_195 = arith.addf %add3A_185, %mul3A_194 : vector<16xf32>
        %get3A_196 = arith.index_cast %scan3A_47 : i32 to index
        %get3A_197 = arith.constant 240 : index
        %get3A_198 = tpu.vector_load %arg10[%get3A_196, %get3A_197] {strides = array<i32>} : memref<32x768xf32, #tpu.memory_space<vmem>>, vector<1x16xf32>,
        %get3A_199 = vector.shape_cast %get3A_198 : vector<1x16xf32> to vector<16xf32>
        %get3A_200 = arith.index_cast %scan3A_47 : i32 to index
        %get3A_201 = arith.constant 240 : index
        %get3A_202 = tpu.vector_load %arg11[%get3A_200, %get3A_201] {strides = array<i32>} : memref<32x768xf32, #tpu.memory_space<vmem>>, vector<1x16xf32>,
        %get3A_203 = vector.shape_cast %get3A_202 : vector<1x16xf32> to vector<16xf32>
        %mul3A_204 = arith.mulf %get3A_199, %get3A_203 : vector<16xf32>
        %add3A_205 = arith.addf %add3A_195, %mul3A_204 : vector<16xf32>
        %get3A_206 = arith.index_cast %scan3A_47 : i32 to index
        %get3A_207 = arith.constant 256 : index
        %get3A_208 = tpu.vector_load %arg10[%get3A_206, %get3A_207] {strides = array<i32>} : memref<32x768xf32, #tpu.memory_space<vmem>>, vector<1x16xf32>,
        %get3A_209 = vector.shape_cast %get3A_208 : vector<1x16xf32> to vector<16xf32>
        %get3A_210 = arith.index_cast %scan3A_47 : i32 to index
        %get3A_211 = arith.constant 256 : index
        %get3A_212 = tpu.vector_load %arg11[%get3A_210, %get3A_211] {strides = array<i32>} : memref<32x768xf32, #tpu.memory_space<vmem>>, vector<1x16xf32>,
        %get3A_213 = vector.shape_cast %get3A_212 : vector<1x16xf32> to vector<16xf32>
        %mul3A_214 = arith.mulf %get3A_209, %get3A_213 : vector<16xf32>
        %add3A_215 = arith.addf %add3A_205, %mul3A_214 : vector<16xf32>
        %get3A_216 = arith.index_cast %scan3A_47 : i32 to index
        %get3A_217 = arith.constant 272 : index
        %get3A_218 = tpu.vector_load %arg10[%get3A_216, %get3A_217] {strides = array<i32>} : memref<32x768xf32, #tpu.memory_space<vmem>>, vector<1x16xf32>,
        %get3A_219 = vector.shape_cast %get3A_218 : vector<1x16xf32> to vector<16xf32>
        %get3A_220 = arith.index_cast %scan3A_47 : i32 to index
        %get3A_221 = arith.constant 272 : index
        %get3A_222 = tpu.vector_load %arg11[%get3A_220, %get3A_221] {strides = array<i32>} : memref<32x768xf32, #tpu.memory_space<vmem>>, vector<1x16xf32>,
        %get3A_223 = vector.shape_cast %get3A_222 : vector<1x16xf32> to vector<16xf32>
        %mul3A_224 = arith.mulf %get3A_219, %get3A_223 : vector<16xf32>
        %add3A_225 = arith.addf %add3A_215, %mul3A_224 : vector<16xf32>
        %get3A_226 = arith.index_cast %scan3A_47 : i32 to index
        %get3A_227 = arith.constant 288 : index
        %get3A_228 = tpu.vector_load %arg10[%get3A_226, %get3A_227] {strides = array<i32>} : memref<32x768xf32, #tpu.memory_space<vmem>>, vector<1x16xf32>,
        %get3A_229 = vector.shape_cast %get3A_228 : vector<1x16xf32> to vector<16xf32>
        %get3A_230 = arith.index_cast %scan3A_47 : i32 to index
        %get3A_231 = arith.constant 288 : index
        %get3A_232 = tpu.vector_load %arg11[%get3A_230, %get3A_231] {strides = array<i32>} : memref<32x768xf32, #tpu.memory_space<vmem>>, vector<1x16xf32>,
        %get3A_233 = vector.shape_cast %get3A_232 : vector<1x16xf32> to vector<16xf32>
        %mul3A_234 = arith.mulf %get3A_229, %get3A_233 : vector<16xf32>
        %add3A_235 = arith.addf %add3A_225, %mul3A_234 : vector<16xf32>
        %get3A_236 = arith.index_cast %scan3A_47 : i32 to index
        %get3A_237 = arith.constant 304 : index
        %get3A_238 = tpu.vector_load %arg10[%get3A_236, %get3A_237] {strides = array<i32>} : memref<32x768xf32, #tpu.memory_space<vmem>>, vector<1x16xf32>,
        %get3A_239 = vector.shape_cast %get3A_238 : vector<1x16xf32> to vector<16xf32>
        %get3A_240 = arith.index_cast %scan3A_47 : i32 to index
        %get3A_241 = arith.constant 304 : index
        %get3A_242 = tpu.vector_load %arg11[%get3A_240, %get3A_241] {strides = array<i32>} : memref<32x768xf32, #tpu.memory_space<vmem>>, vector<1x16xf32>,
        %get3A_243 = vector.shape_cast %get3A_242 : vector<1x16xf32> to vector<16xf32>
        %mul3A_244 = arith.mulf %get3A_239, %get3A_243 : vector<16xf32>
        %add3A_245 = arith.addf %add3A_235, %mul3A_244 : vector<16xf32>
        %get3A_246 = arith.index_cast %scan3A_47 : i32 to index
        %get3A_247 = arith.constant 320 : index
        %get3A_248 = tpu.vector_load %arg10[%get3A_246, %get3A_247] {strides = array<i32>} : memref<32x768xf32, #tpu.memory_space<vmem>>, vector<1x16xf32>,
        %get3A_249 = vector.shape_cast %get3A_248 : vector<1x16xf32> to vector<16xf32>
        %get3A_250 = arith.index_cast %scan3A_47 : i32 to index
        %get3A_251 = arith.constant 320 : index
        %get3A_252 = tpu.vector_load %arg11[%get3A_250, %get3A_251] {strides = array<i32>} : memref<32x768xf32, #tpu.memory_space<vmem>>, vector<1x16xf32>,
        %get3A_253 = vector.shape_cast %get3A_252 : vector<1x16xf32> to vector<16xf32>
        %mul3A_254 = arith.mulf %get3A_249, %get3A_253 : vector<16xf32>
        %add3A_255 = arith.addf %add3A_245, %mul3A_254 : vector<16xf32>
        %get3A_256 = arith.index_cast %scan3A_47 : i32 to index
        %get3A_257 = arith.constant 336 : index
        %get3A_258 = tpu.vector_load %arg10[%get3A_256, %get3A_257] {strides = array<i32>} : memref<32x768xf32, #tpu.memory_space<vmem>>, vector<1x16xf32>,
        %get3A_259 = vector.shape_cast %get3A_258 : vector<1x16xf32> to vector<16xf32>
        %get3A_260 = arith.index_cast %scan3A_47 : i32 to index
        %get3A_261 = arith.constant 336 : index
        %get3A_262 = tpu.vector_load %arg11[%get3A_260, %get3A_261] {strides = array<i32>} : memref<32x768xf32, #tpu.memory_space<vmem>>, vector<1x16xf32>,
        %get3A_263 = vector.shape_cast %get3A_262 : vector<1x16xf32> to vector<16xf32>
        %mul3A_264 = arith.mulf %get3A_259, %get3A_263 : vector<16xf32>
        %add3A_265 = arith.addf %add3A_255, %mul3A_264 : vector<16xf32>
        %get3A_266 = arith.index_cast %scan3A_47 : i32 to index
        %get3A_267 = arith.constant 352 : index
        %get3A_268 = tpu.vector_load %arg10[%get3A_266, %get3A_267] {strides = array<i32>} : memref<32x768xf32, #tpu.memory_space<vmem>>, vector<1x16xf32>,
        %get3A_269 = vector.shape_cast %get3A_268 : vector<1x16xf32> to vector<16xf32>
        %get3A_270 = arith.index_cast %scan3A_47 : i32 to index
        %get3A_271 = arith.constant 352 : index
        %get3A_272 = tpu.vector_load %arg11[%get3A_270, %get3A_271] {strides = array<i32>} : memref<32x768xf32, #tpu.memory_space<vmem>>, vector<1x16xf32>,
        %get3A_273 = vector.shape_cast %get3A_272 : vector<1x16xf32> to vector<16xf32>
        %mul3A_274 = arith.mulf %get3A_269, %get3A_273 : vector<16xf32>
        %add3A_275 = arith.addf %add3A_265, %mul3A_274 : vector<16xf32>
        %get3A_276 = arith.index_cast %scan3A_47 : i32 to index
        %get3A_277 = arith.constant 368 : index
        %get3A_278 = tpu.vector_load %arg10[%get3A_276, %get3A_277] {strides = array<i32>} : memref<32x768xf32, #tpu.memory_space<vmem>>, vector<1x16xf32>,
        %get3A_279 = vector.shape_cast %get3A_278 : vector<1x16xf32> to vector<16xf32>
        %get3A_280 = arith.index_cast %scan3A_47 : i32 to index
        %get3A_281 = arith.constant 368 : index
        %get3A_282 = tpu.vector_load %arg11[%get3A_280, %get3A_281] {strides = array<i32>} : memref<32x768xf32, #tpu.memory_space<vmem>>, vector<1x16xf32>,
        %get3A_283 = vector.shape_cast %get3A_282 : vector<1x16xf32> to vector<16xf32>
        %mul3A_284 = arith.mulf %get3A_279, %get3A_283 : vector<16xf32>
        %add3A_285 = arith.addf %add3A_275, %mul3A_284 : vector<16xf32>
        %get3A_286 = arith.index_cast %scan3A_47 : i32 to index
        %get3A_287 = arith.constant 384 : index
        %get3A_288 = tpu.vector_load %arg10[%get3A_286, %get3A_287] {strides = array<i32>} : memref<32x768xf32, #tpu.memory_space<vmem>>, vector<1x16xf32>,
        %get3A_289 = vector.shape_cast %get3A_288 : vector<1x16xf32> to vector<16xf32>
        %get3A_290 = arith.index_cast %scan3A_47 : i32 to index
        %get3A_291 = arith.constant 384 : index
        %get3A_292 = tpu.vector_load %arg11[%get3A_290, %get3A_291] {strides = array<i32>} : memref<32x768xf32, #tpu.memory_space<vmem>>, vector<1x16xf32>,
        %get3A_293 = vector.shape_cast %get3A_292 : vector<1x16xf32> to vector<16xf32>
        %mul3A_294 = arith.mulf %get3A_289, %get3A_293 : vector<16xf32>
        %add3A_295 = arith.addf %add3A_285, %mul3A_294 : vector<16xf32>
        %get3A_296 = arith.index_cast %scan3A_47 : i32 to index
        %get3A_297 = arith.constant 400 : index
        %get3A_298 = tpu.vector_load %arg10[%get3A_296, %get3A_297] {strides = array<i32>} : memref<32x768xf32, #tpu.memory_space<vmem>>, vector<1x16xf32>,
        %get3A_299 = vector.shape_cast %get3A_298 : vector<1x16xf32> to vector<16xf32>
        %get3A_300 = arith.index_cast %scan3A_47 : i32 to index
        %get3A_301 = arith.constant 400 : index
        %get3A_302 = tpu.vector_load %arg11[%get3A_300, %get3A_301] {strides = array<i32>} : memref<32x768xf32, #tpu.memory_space<vmem>>, vector<1x16xf32>,
        %get3A_303 = vector.shape_cast %get3A_302 : vector<1x16xf32> to vector<16xf32>
        %mul3A_304 = arith.mulf %get3A_299, %get3A_303 : vector<16xf32>
        %add3A_305 = arith.addf %add3A_295, %mul3A_304 : vector<16xf32>
        %get3A_306 = arith.index_cast %scan3A_47 : i32 to index
        %get3A_307 = arith.constant 416 : index
        %get3A_308 = tpu.vector_load %arg10[%get3A_306, %get3A_307] {strides = array<i32>} : memref<32x768xf32, #tpu.memory_space<vmem>>, vector<1x16xf32>,
        %get3A_309 = vector.shape_cast %get3A_308 : vector<1x16xf32> to vector<16xf32>
        %get3A_310 = arith.index_cast %scan3A_47 : i32 to index
        %get3A_311 = arith.constant 416 : index
        %get3A_312 = tpu.vector_load %arg11[%get3A_310, %get3A_311] {strides = array<i32>} : memref<32x768xf32, #tpu.memory_space<vmem>>, vector<1x16xf32>,
        %get3A_313 = vector.shape_cast %get3A_312 : vector<1x16xf32> to vector<16xf32>
        %mul3A_314 = arith.mulf %get3A_309, %get3A_313 : vector<16xf32>
        %add3A_315 = arith.addf %add3A_305, %mul3A_314 : vector<16xf32>
        %get3A_316 = arith.index_cast %scan3A_47 : i32 to index
        %get3A_317 = arith.constant 432 : index
        %get3A_318 = tpu.vector_load %arg10[%get3A_316, %get3A_317] {strides = array<i32>} : memref<32x768xf32, #tpu.memory_space<vmem>>, vector<1x16xf32>,
        %get3A_319 = vector.shape_cast %get3A_318 : vector<1x16xf32> to vector<16xf32>
        %get3A_320 = arith.index_cast %scan3A_47 : i32 to index
        %get3A_321 = arith.constant 432 : index
        %get3A_322 = tpu.vector_load %arg11[%get3A_320, %get3A_321] {strides = array<i32>} : memref<32x768xf32, #tpu.memory_space<vmem>>, vector<1x16xf32>,
        %get3A_323 = vector.shape_cast %get3A_322 : vector<1x16xf32> to vector<16xf32>
        %mul3A_324 = arith.mulf %get3A_319, %get3A_323 : vector<16xf32>
        %add3A_325 = arith.addf %add3A_315, %mul3A_324 : vector<16xf32>
        %get3A_326 = arith.index_cast %scan3A_47 : i32 to index
        %get3A_327 = arith.constant 448 : index
        %get3A_328 = tpu.vector_load %arg10[%get3A_326, %get3A_327] {strides = array<i32>} : memref<32x768xf32, #tpu.memory_space<vmem>>, vector<1x16xf32>,
        %get3A_329 = vector.shape_cast %get3A_328 : vector<1x16xf32> to vector<16xf32>
        %get3A_330 = arith.index_cast %scan3A_47 : i32 to index
        %get3A_331 = arith.constant 448 : index
        %get3A_332 = tpu.vector_load %arg11[%get3A_330, %get3A_331] {strides = array<i32>} : memref<32x768xf32, #tpu.memory_space<vmem>>, vector<1x16xf32>,
        %get3A_333 = vector.shape_cast %get3A_332 : vector<1x16xf32> to vector<16xf32>
        %mul3A_334 = arith.mulf %get3A_329, %get3A_333 : vector<16xf32>
        %add3A_335 = arith.addf %add3A_325, %mul3A_334 : vector<16xf32>
        %get3A_336 = arith.index_cast %scan3A_47 : i32 to index
        %get3A_337 = arith.constant 464 : index
        %get3A_338 = tpu.vector_load %arg10[%get3A_336, %get3A_337] {strides = array<i32>} : memref<32x768xf32, #tpu.memory_space<vmem>>, vector<1x16xf32>,
        %get3A_339 = vector.shape_cast %get3A_338 : vector<1x16xf32> to vector<16xf32>
        %get3A_340 = arith.index_cast %scan3A_47 : i32 to index
        %get3A_341 = arith.constant 464 : index
        %get3A_342 = tpu.vector_load %arg11[%get3A_340, %get3A_341] {strides = array<i32>} : memref<32x768xf32, #tpu.memory_space<vmem>>, vector<1x16xf32>,
        %get3A_343 = vector.shape_cast %get3A_342 : vector<1x16xf32> to vector<16xf32>
        %mul3A_344 = arith.mulf %get3A_339, %get3A_343 : vector<16xf32>
        %add3A_345 = arith.addf %add3A_335, %mul3A_344 : vector<16xf32>
        %get3A_346 = arith.index_cast %scan3A_47 : i32 to index
        %get3A_347 = arith.constant 480 : index
        %get3A_348 = tpu.vector_load %arg10[%get3A_346, %get3A_347] {strides = array<i32>} : memref<32x768xf32, #tpu.memory_space<vmem>>, vector<1x16xf32>,
        %get3A_349 = vector.shape_cast %get3A_348 : vector<1x16xf32> to vector<16xf32>
        %get3A_350 = arith.index_cast %scan3A_47 : i32 to index
        %get3A_351 = arith.constant 480 : index
        %get3A_352 = tpu.vector_load %arg11[%get3A_350, %get3A_351] {strides = array<i32>} : memref<32x768xf32, #tpu.memory_space<vmem>>, vector<1x16xf32>,
        %get3A_353 = vector.shape_cast %get3A_352 : vector<1x16xf32> to vector<16xf32>
        %mul3A_354 = arith.mulf %get3A_349, %get3A_353 : vector<16xf32>
        %add3A_355 = arith.addf %add3A_345, %mul3A_354 : vector<16xf32>
        %get3A_356 = arith.index_cast %scan3A_47 : i32 to index
        %get3A_357 = arith.constant 496 : index
        %get3A_358 = tpu.vector_load %arg10[%get3A_356, %get3A_357] {strides = array<i32>} : memref<32x768xf32, #tpu.memory_space<vmem>>, vector<1x16xf32>,
        %get3A_359 = vector.shape_cast %get3A_358 : vector<1x16xf32> to vector<16xf32>
        %get3A_360 = arith.index_cast %scan3A_47 : i32 to index
        %get3A_361 = arith.constant 496 : index
        %get3A_362 = tpu.vector_load %arg11[%get3A_360, %get3A_361] {strides = array<i32>} : memref<32x768xf32, #tpu.memory_space<vmem>>, vector<1x16xf32>,
        %get3A_363 = vector.shape_cast %get3A_362 : vector<1x16xf32> to vector<16xf32>
        %mul3A_364 = arith.mulf %get3A_359, %get3A_363 : vector<16xf32>
        %add3A_365 = arith.addf %add3A_355, %mul3A_364 : vector<16xf32>
        %get3A_366 = arith.index_cast %scan3A_47 : i32 to index
        %get3A_367 = arith.constant 512 : index
        %get3A_368 = tpu.vector_load %arg10[%get3A_366, %get3A_367] {strides = array<i32>} : memref<32x768xf32, #tpu.memory_space<vmem>>, vector<1x16xf32>,
        %get3A_369 = vector.shape_cast %get3A_368 : vector<1x16xf32> to vector<16xf32>
        %get3A_370 = arith.index_cast %scan3A_47 : i32 to index
        %get3A_371 = arith.constant 512 : index
        %get3A_372 = tpu.vector_load %arg11[%get3A_370, %get3A_371] {strides = array<i32>} : memref<32x768xf32, #tpu.memory_space<vmem>>, vector<1x16xf32>,
        %get3A_373 = vector.shape_cast %get3A_372 : vector<1x16xf32> to vector<16xf32>
        %mul3A_374 = arith.mulf %get3A_369, %get3A_373 : vector<16xf32>
        %add3A_375 = arith.addf %add3A_365, %mul3A_374 : vector<16xf32>
        %get3A_376 = arith.index_cast %scan3A_47 : i32 to index
        %get3A_377 = arith.constant 528 : index
        %get3A_378 = tpu.vector_load %arg10[%get3A_376, %get3A_377] {strides = array<i32>} : memref<32x768xf32, #tpu.memory_space<vmem>>, vector<1x16xf32>,
        %get3A_379 = vector.shape_cast %get3A_378 : vector<1x16xf32> to vector<16xf32>
        %get3A_380 = arith.index_cast %scan3A_47 : i32 to index
        %get3A_381 = arith.constant 528 : index
        %get3A_382 = tpu.vector_load %arg11[%get3A_380, %get3A_381] {strides = array<i32>} : memref<32x768xf32, #tpu.memory_space<vmem>>, vector<1x16xf32>,
        %get3A_383 = vector.shape_cast %get3A_382 : vector<1x16xf32> to vector<16xf32>
        %mul3A_384 = arith.mulf %get3A_379, %get3A_383 : vector<16xf32>
        %add3A_385 = arith.addf %add3A_375, %mul3A_384 : vector<16xf32>
        %get3A_386 = arith.index_cast %scan3A_47 : i32 to index
        %get3A_387 = arith.constant 544 : index
        %get3A_388 = tpu.vector_load %arg10[%get3A_386, %get3A_387] {strides = array<i32>} : memref<32x768xf32, #tpu.memory_space<vmem>>, vector<1x16xf32>,
        %get3A_389 = vector.shape_cast %get3A_388 : vector<1x16xf32> to vector<16xf32>
        %get3A_390 = arith.index_cast %scan3A_47 : i32 to index
        %get3A_391 = arith.constant 544 : index
        %get3A_392 = tpu.vector_load %arg11[%get3A_390, %get3A_391] {strides = array<i32>} : memref<32x768xf32, #tpu.memory_space<vmem>>, vector<1x16xf32>,
        %get3A_393 = vector.shape_cast %get3A_392 : vector<1x16xf32> to vector<16xf32>
        %mul3A_394 = arith.mulf %get3A_389, %get3A_393 : vector<16xf32>
        %add3A_395 = arith.addf %add3A_385, %mul3A_394 : vector<16xf32>
        %get3A_396 = arith.index_cast %scan3A_47 : i32 to index
        %get3A_397 = arith.constant 560 : index
        %get3A_398 = tpu.vector_load %arg10[%get3A_396, %get3A_397] {strides = array<i32>} : memref<32x768xf32, #tpu.memory_space<vmem>>, vector<1x16xf32>,
        %get3A_399 = vector.shape_cast %get3A_398 : vector<1x16xf32> to vector<16xf32>
        %get3A_400 = arith.index_cast %scan3A_47 : i32 to index
        %get3A_401 = arith.constant 560 : index
        %get3A_402 = tpu.vector_load %arg11[%get3A_400, %get3A_401] {strides = array<i32>} : memref<32x768xf32, #tpu.memory_space<vmem>>, vector<1x16xf32>,
        %get3A_403 = vector.shape_cast %get3A_402 : vector<1x16xf32> to vector<16xf32>
        %mul3A_404 = arith.mulf %get3A_399, %get3A_403 : vector<16xf32>
        %add3A_405 = arith.addf %add3A_395, %mul3A_404 : vector<16xf32>
        %get3A_406 = arith.index_cast %scan3A_47 : i32 to index
        %get3A_407 = arith.constant 576 : index
        %get3A_408 = tpu.vector_load %arg10[%get3A_406, %get3A_407] {strides = array<i32>} : memref<32x768xf32, #tpu.memory_space<vmem>>, vector<1x16xf32>,
        %get3A_409 = vector.shape_cast %get3A_408 : vector<1x16xf32> to vector<16xf32>
        %get3A_410 = arith.index_cast %scan3A_47 : i32 to index
        %get3A_411 = arith.constant 576 : index
        %get3A_412 = tpu.vector_load %arg11[%get3A_410, %get3A_411] {strides = array<i32>} : memref<32x768xf32, #tpu.memory_space<vmem>>, vector<1x16xf32>,
        %get3A_413 = vector.shape_cast %get3A_412 : vector<1x16xf32> to vector<16xf32>
        %mul3A_414 = arith.mulf %get3A_409, %get3A_413 : vector<16xf32>
        %add3A_415 = arith.addf %add3A_405, %mul3A_414 : vector<16xf32>
        %get3A_416 = arith.index_cast %scan3A_47 : i32 to index
        %get3A_417 = arith.constant 592 : index
        %get3A_418 = tpu.vector_load %arg10[%get3A_416, %get3A_417] {strides = array<i32>} : memref<32x768xf32, #tpu.memory_space<vmem>>, vector<1x16xf32>,
        %get3A_419 = vector.shape_cast %get3A_418 : vector<1x16xf32> to vector<16xf32>
        %get3A_420 = arith.index_cast %scan3A_47 : i32 to index
        %get3A_421 = arith.constant 592 : index
        %get3A_422 = tpu.vector_load %arg11[%get3A_420, %get3A_421] {strides = array<i32>} : memref<32x768xf32, #tpu.memory_space<vmem>>, vector<1x16xf32>,
        %get3A_423 = vector.shape_cast %get3A_422 : vector<1x16xf32> to vector<16xf32>
        %mul3A_424 = arith.mulf %get3A_419, %get3A_423 : vector<16xf32>
        %add3A_425 = arith.addf %add3A_415, %mul3A_424 : vector<16xf32>
        %get3A_426 = arith.index_cast %scan3A_47 : i32 to index
        %get3A_427 = arith.constant 608 : index
        %get3A_428 = tpu.vector_load %arg10[%get3A_426, %get3A_427] {strides = array<i32>} : memref<32x768xf32, #tpu.memory_space<vmem>>, vector<1x16xf32>,
        %get3A_429 = vector.shape_cast %get3A_428 : vector<1x16xf32> to vector<16xf32>
        %get3A_430 = arith.index_cast %scan3A_47 : i32 to index
        %get3A_431 = arith.constant 608 : index
        %get3A_432 = tpu.vector_load %arg11[%get3A_430, %get3A_431] {strides = array<i32>} : memref<32x768xf32, #tpu.memory_space<vmem>>, vector<1x16xf32>,
        %get3A_433 = vector.shape_cast %get3A_432 : vector<1x16xf32> to vector<16xf32>
        %mul3A_434 = arith.mulf %get3A_429, %get3A_433 : vector<16xf32>
        %add3A_435 = arith.addf %add3A_425, %mul3A_434 : vector<16xf32>
        %get3A_436 = arith.index_cast %scan3A_47 : i32 to index
        %get3A_437 = arith.constant 624 : index
        %get3A_438 = tpu.vector_load %arg10[%get3A_436, %get3A_437] {strides = array<i32>} : memref<32x768xf32, #tpu.memory_space<vmem>>, vector<1x16xf32>,
        %get3A_439 = vector.shape_cast %get3A_438 : vector<1x16xf32> to vector<16xf32>
        %get3A_440 = arith.index_cast %scan3A_47 : i32 to index
        %get3A_441 = arith.constant 624 : index
        %get3A_442 = tpu.vector_load %arg11[%get3A_440, %get3A_441] {strides = array<i32>} : memref<32x768xf32, #tpu.memory_space<vmem>>, vector<1x16xf32>,
        %get3A_443 = vector.shape_cast %get3A_442 : vector<1x16xf32> to vector<16xf32>
        %mul3A_444 = arith.mulf %get3A_439, %get3A_443 : vector<16xf32>
        %add3A_445 = arith.addf %add3A_435, %mul3A_444 : vector<16xf32>
        %get3A_446 = arith.index_cast %scan3A_47 : i32 to index
        %get3A_447 = arith.constant 640 : index
        %get3A_448 = tpu.vector_load %arg10[%get3A_446, %get3A_447] {strides = array<i32>} : memref<32x768xf32, #tpu.memory_space<vmem>>, vector<1x16xf32>,
        %get3A_449 = vector.shape_cast %get3A_448 : vector<1x16xf32> to vector<16xf32>
        %get3A_450 = arith.index_cast %scan3A_47 : i32 to index
        %get3A_451 = arith.constant 640 : index
        %get3A_452 = tpu.vector_load %arg11[%get3A_450, %get3A_451] {strides = array<i32>} : memref<32x768xf32, #tpu.memory_space<vmem>>, vector<1x16xf32>,
        %get3A_453 = vector.shape_cast %get3A_452 : vector<1x16xf32> to vector<16xf32>
        %mul3A_454 = arith.mulf %get3A_449, %get3A_453 : vector<16xf32>
        %add3A_455 = arith.addf %add3A_445, %mul3A_454 : vector<16xf32>
        %get3A_456 = arith.index_cast %scan3A_47 : i32 to index
        %get3A_457 = arith.constant 656 : index
        %get3A_458 = tpu.vector_load %arg10[%get3A_456, %get3A_457] {strides = array<i32>} : memref<32x768xf32, #tpu.memory_space<vmem>>, vector<1x16xf32>,
        %get3A_459 = vector.shape_cast %get3A_458 : vector<1x16xf32> to vector<16xf32>
        %get3A_460 = arith.index_cast %scan3A_47 : i32 to index
        %get3A_461 = arith.constant 656 : index
        %get3A_462 = tpu.vector_load %arg11[%get3A_460, %get3A_461] {strides = array<i32>} : memref<32x768xf32, #tpu.memory_space<vmem>>, vector<1x16xf32>,
        %get3A_463 = vector.shape_cast %get3A_462 : vector<1x16xf32> to vector<16xf32>
        %mul3A_464 = arith.mulf %get3A_459, %get3A_463 : vector<16xf32>
        %add3A_465 = arith.addf %add3A_455, %mul3A_464 : vector<16xf32>
        %get3A_466 = arith.index_cast %scan3A_47 : i32 to index
        %get3A_467 = arith.constant 672 : index
        %get3A_468 = tpu.vector_load %arg10[%get3A_466, %get3A_467] {strides = array<i32>} : memref<32x768xf32, #tpu.memory_space<vmem>>, vector<1x16xf32>,
        %get3A_469 = vector.shape_cast %get3A_468 : vector<1x16xf32> to vector<16xf32>
        %get3A_470 = arith.index_cast %scan3A_47 : i32 to index
        %get3A_471 = arith.constant 672 : index
        %get3A_472 = tpu.vector_load %arg11[%get3A_470, %get3A_471] {strides = array<i32>} : memref<32x768xf32, #tpu.memory_space<vmem>>, vector<1x16xf32>,
        %get3A_473 = vector.shape_cast %get3A_472 : vector<1x16xf32> to vector<16xf32>
        %mul3A_474 = arith.mulf %get3A_469, %get3A_473 : vector<16xf32>
        %add3A_475 = arith.addf %add3A_465, %mul3A_474 : vector<16xf32>
        %get3A_476 = arith.index_cast %scan3A_47 : i32 to index
        %get3A_477 = arith.constant 688 : index
        %get3A_478 = tpu.vector_load %arg10[%get3A_476, %get3A_477] {strides = array<i32>} : memref<32x768xf32, #tpu.memory_space<vmem>>, vector<1x16xf32>,
        %get3A_479 = vector.shape_cast %get3A_478 : vector<1x16xf32> to vector<16xf32>
        %get3A_480 = arith.index_cast %scan3A_47 : i32 to index
        %get3A_481 = arith.constant 688 : index
        %get3A_482 = tpu.vector_load %arg11[%get3A_480, %get3A_481] {strides = array<i32>} : memref<32x768xf32, #tpu.memory_space<vmem>>, vector<1x16xf32>,
        %get3A_483 = vector.shape_cast %get3A_482 : vector<1x16xf32> to vector<16xf32>
        %mul3A_484 = arith.mulf %get3A_479, %get3A_483 : vector<16xf32>
        %add3A_485 = arith.addf %add3A_475, %mul3A_484 : vector<16xf32>
        %get3A_486 = arith.index_cast %scan3A_47 : i32 to index
        %get3A_487 = arith.constant 704 : index
        %get3A_488 = tpu.vector_load %arg10[%get3A_486, %get3A_487] {strides = array<i32>} : memref<32x768xf32, #tpu.memory_space<vmem>>, vector<1x16xf32>,
        %get3A_489 = vector.shape_cast %get3A_488 : vector<1x16xf32> to vector<16xf32>
        %get3A_490 = arith.index_cast %scan3A_47 : i32 to index
        %get3A_491 = arith.constant 704 : index
        %get3A_492 = tpu.vector_load %arg11[%get3A_490, %get3A_491] {strides = array<i32>} : memref<32x768xf32, #tpu.memory_space<vmem>>, vector<1x16xf32>,
        %get3A_493 = vector.shape_cast %get3A_492 : vector<1x16xf32> to vector<16xf32>
        %mul3A_494 = arith.mulf %get3A_489, %get3A_493 : vector<16xf32>
        %add3A_495 = arith.addf %add3A_485, %mul3A_494 : vector<16xf32>
        %get3A_496 = arith.index_cast %scan3A_47 : i32 to index
        %get3A_497 = arith.constant 720 : index
        %get3A_498 = tpu.vector_load %arg10[%get3A_496, %get3A_497] {strides = array<i32>} : memref<32x768xf32, #tpu.memory_space<vmem>>, vector<1x16xf32>,
        %get3A_499 = vector.shape_cast %get3A_498 : vector<1x16xf32> to vector<16xf32>
        %get3A_500 = arith.index_cast %scan3A_47 : i32 to index
        %get3A_501 = arith.constant 720 : index
        %get3A_502 = tpu.vector_load %arg11[%get3A_500, %get3A_501] {strides = array<i32>} : memref<32x768xf32, #tpu.memory_space<vmem>>, vector<1x16xf32>,
        %get3A_503 = vector.shape_cast %get3A_502 : vector<1x16xf32> to vector<16xf32>
        %mul3A_504 = arith.mulf %get3A_499, %get3A_503 : vector<16xf32>
        %add3A_505 = arith.addf %add3A_495, %mul3A_504 : vector<16xf32>
        %get3A_506 = arith.index_cast %scan3A_47 : i32 to index
        %get3A_507 = arith.constant 736 : index
        %get3A_508 = tpu.vector_load %arg10[%get3A_506, %get3A_507] {strides = array<i32>} : memref<32x768xf32, #tpu.memory_space<vmem>>, vector<1x16xf32>,
        %get3A_509 = vector.shape_cast %get3A_508 : vector<1x16xf32> to vector<16xf32>
        %get3A_510 = arith.index_cast %scan3A_47 : i32 to index
        %get3A_511 = arith.constant 736 : index
        %get3A_512 = tpu.vector_load %arg11[%get3A_510, %get3A_511] {strides = array<i32>} : memref<32x768xf32, #tpu.memory_space<vmem>>, vector<1x16xf32>,
        %get3A_513 = vector.shape_cast %get3A_512 : vector<1x16xf32> to vector<16xf32>
        %mul3A_514 = arith.mulf %get3A_509, %get3A_513 : vector<16xf32>
        %add3A_515 = arith.addf %add3A_505, %mul3A_514 : vector<16xf32>
        %get3A_516 = arith.index_cast %scan3A_47 : i32 to index
        %get3A_517 = arith.constant 752 : index
        %get3A_518 = tpu.vector_load %arg10[%get3A_516, %get3A_517] {strides = array<i32>} : memref<32x768xf32, #tpu.memory_space<vmem>>, vector<1x16xf32>,
        %get3A_519 = vector.shape_cast %get3A_518 : vector<1x16xf32> to vector<16xf32>
        %get3A_520 = arith.index_cast %scan3A_47 : i32 to index
        %get3A_521 = arith.constant 752 : index
        %get3A_522 = tpu.vector_load %arg11[%get3A_520, %get3A_521] {strides = array<i32>} : memref<32x768xf32, #tpu.memory_space<vmem>>, vector<1x16xf32>,
        %get3A_523 = vector.shape_cast %get3A_522 : vector<1x16xf32> to vector<16xf32>
        %mul3A_524 = arith.mulf %get3A_519, %get3A_523 : vector<16xf32>
        %add3A_525 = arith.addf %add3A_515, %mul3A_524 : vector<16xf32>
        %add3A_526 = arith.addi %mul3A_26, %scan3A_47 : i32
        %swap3A_527 = arith.index_cast %add3A_526 : i32 to index
        %swap3A_528 = arith.constant 0 : index
        %swap3A_529 = tpu.vector_load %arg12[%swap3A_527, %swap3A_528] {strides = array<i32>} : memref<256x16xf32, #tpu.memory_space<vmem>>, vector<1x16xf32>,
        %swap3A_530 = vector.shape_cast %swap3A_529 : vector<1x16xf32> to vector<16xf32>
        %swap3A_531 = vector.shape_cast %add3A_525 : vector<16xf32> to vector<1x16xf32>
        tpu.vector_store %arg12[%swap3A_527, %swap3A_528], %swap3A_531 {strides = array<i32>} : memref<256x16xf32, #tpu.memory_space<vmem>>, vector<1x16xf32>,
      }
      %scan3A_46 = arith.constant 32 : i32
    }
    %scan3A_21 = arith.constant 8 : i32
    %mul3A_22 = arith.constant 256 : i32
    %mul3A_23 = arith.muli %add3A, %mul3A_22 : i32
    "tpu.region"() ({
      %run_scoped3A = tpu.sem_alloc : memref<!tpu.dma_semaphore, #tpu.memory_space<semaphore_mem>>
      %dma_start3A = arith.constant 0 : i32
      %dma_start3A_24 = tpu.memref_slice %arg7[%mul3A_23, %dma_start3A] : memref<8192x16xf32, #tpu.memory_space<hbm>> -> memref<256x16xf32, #tpu.memory_space<hbm>>
      %dma_start3A_25 = arith.constant 0 : i32
      %dma_start3A_26 = tpu.memref_slice %arg7[%mul3A_23, %dma_start3A_25] : memref<8192x16xf32, #tpu.memory_space<hbm>> -> memref<256x16xf32, #tpu.memory_space<hbm>>
      tpu.enqueue_dma source(%arg12 : memref<256x16xf32, #tpu.memory_space<vmem>>) target(%dma_start3A_26 : memref<256x16xf32, #tpu.memory_space<hbm>>) target_semaphore(%run_scoped3A : memref<!tpu.dma_semaphore, #tpu.memory_space<semaphore_mem>>)
      %dma_wait3A = arith.constant 0 : i32
      %dma_wait3A_27 = tpu.memref_slice %arg7[%mul3A_23, %dma_wait3A] : memref<8192x16xf32, #tpu.memory_space<hbm>> -> memref<256x16xf32, #tpu.memory_space<hbm>>
      %dma_wait3A_28 = arith.constant 0 : i32
      %dma_wait3A_29 = tpu.memref_slice %arg7[%mul3A_23, %dma_wait3A_28] : memref<8192x16xf32, #tpu.memory_space<hbm>> -> memref<256x16xf32, #tpu.memory_space<hbm>>
      tpu.wait_dma2 semaphore(%run_scoped3A : memref<!tpu.dma_semaphore, #tpu.memory_space<semaphore_mem>>) src(%arg12 : memref<256x16xf32, #tpu.memory_space<vmem>>) dst(%dma_wait3A_29 : memref<256x16xf32, #tpu.memory_space<hbm>>)
      tpu.yield
    }) : () -> ()
    return
  }
}

module attributes {stable_mosaic.version = 14 : i64} {
  func.func @_fulla_body(%arg0: i32, %arg1: memref<1024x768xf32, #tpu.memory_space<vmem>>, %arg2: memref<768x768xf32, #tpu.memory_space<vmem>>, %arg3: memref<1x768xf32, #tpu.memory_space<vmem>>, %arg4: memref<1024x768xf32, #tpu.memory_space<vmem>>) attributes {dimension_semantics = [#tpu.dimension_semantics<arbitrary>], iteration_bounds = array<i64: 8>, scalar_prefetch = 0 : i64, scratch_operands = 0 : i64, tpu.core_type = #tpu.core_type<tc>, window_params = [{pipeline_mode = #tpu.pipeline_mode<synchronous>, transform_indices = @transform_0, window_bounds = array<i64: 1024, 768>}, {transform_indices = @transform_1, window_bounds = array<i64: 768, 768>}, {transform_indices = @transform_2, window_bounds = array<i64: 1, 768>}, {transform_indices = @transform_3, window_bounds = array<i64: 1024, 768>}]} {
    %get3A = arith.constant 0 : index
    %get3A_0 = arith.constant 0 : index
    %get3A_1 = vector.load %arg1[%get3A, %get3A_0] : memref<1024x768xf32, #tpu.memory_space<vmem>>, vector<1024x768xf32>
    %get3A_2 = arith.constant 0 : index
    %get3A_3 = arith.constant 0 : index
    %get3A_4 = vector.load %arg2[%get3A_2, %get3A_3] : memref<768x768xf32, #tpu.memory_space<vmem>>, vector<768x768xf32>
    %convert_element_type3A = arith.truncf %get3A_1 : vector<1024x768xf32> to vector<1024x768xbf16>
    %convert_element_type3A_5 = arith.extf %convert_element_type3A : vector<1024x768xbf16> to vector<1024x768xf32>
    %sub3A = arith.subf %get3A_1, %convert_element_type3A_5 : vector<1024x768xf32>
    %convert_element_type3A_6 = arith.truncf %sub3A : vector<1024x768xf32> to vector<1024x768xbf16>
    %convert_element_type3A_7 = arith.truncf %get3A_4 : vector<768x768xf32> to vector<768x768xbf16>
    %convert_element_type3A_8 = arith.extf %convert_element_type3A_7 : vector<768x768xbf16> to vector<768x768xf32>
    %sub3A_9 = arith.subf %get3A_4, %convert_element_type3A_8 : vector<768x768xf32>
    %convert_element_type3A_10 = arith.truncf %sub3A_9 : vector<768x768xf32> to vector<768x768xbf16>
    %dot_general3A = arith.constant dense<0.000000e+00> : vector<1024x768xf32>
    %dot_general3A_11 = tpu.matmul %convert_element_type3A, %convert_element_type3A_7, %dot_general3A {dimension_numbers = #tpu.dot_dimension_numbers<[1], [0], [0], [1], [0, 0, 1, 1], [], []>, transpose_lhs_hint = false} : vector<1024x768xbf16>, vector<768x768xbf16>, vector<1024x768xf32> -> vector<1024x768xf32>
    %dot_general3A_12 = arith.constant dense<0.000000e+00> : vector<1024x768xf32>
    %dot_general3A_13 = tpu.matmul %convert_element_type3A_6, %convert_element_type3A_7, %dot_general3A_12 {dimension_numbers = #tpu.dot_dimension_numbers<[1], [0], [0], [1], [0, 0, 1, 1], [], []>, transpose_lhs_hint = false} : vector<1024x768xbf16>, vector<768x768xbf16>, vector<1024x768xf32> -> vector<1024x768xf32>
    %add3A = arith.addf %dot_general3A_11, %dot_general3A_13 : vector<1024x768xf32>
    %dot_general3A_14 = arith.constant dense<0.000000e+00> : vector<1024x768xf32>
    %dot_general3A_15 = tpu.matmul %convert_element_type3A, %convert_element_type3A_10, %dot_general3A_14 {dimension_numbers = #tpu.dot_dimension_numbers<[1], [0], [0], [1], [0, 0, 1, 1], [], []>, transpose_lhs_hint = false} : vector<1024x768xbf16>, vector<768x768xbf16>, vector<1024x768xf32> -> vector<1024x768xf32>
    %add3A_16 = arith.addf %add3A, %dot_general3A_15 : vector<1024x768xf32>
    %get3A_17 = arith.constant 0 : index
    %get3A_18 = arith.constant 0 : index
    %get3A_19 = vector.load %arg3[%get3A_17, %get3A_18] : memref<1x768xf32, #tpu.memory_space<vmem>>, vector<1x768xf32>
    %add3A_20 = vector.broadcast %get3A_19 : vector<1x768xf32> to vector<1024x768xf32>
    %add3A_21 = arith.addf %add3A_16, %add3A_20 : vector<1024x768xf32>
    %swap3A = arith.constant 0 : index
    %swap3A_22 = arith.constant 0 : index
    %swap3A_23 = vector.load %arg4[%swap3A, %swap3A_22] : memref<1024x768xf32, #tpu.memory_space<vmem>>, vector<1024x768xf32>
    tpu.vector_store %arg4[%swap3A, %swap3A_22], %add3A_21 {strides = array<i32>} : memref<1024x768xf32, #tpu.memory_space<vmem>>, vector<1024x768xf32>,
    return
  }
  func.func @transform_0(%arg0: i32) -> (i32, i32) {
    %c0_i32 = arith.constant 0 : i32
    %c0_i32_0 = arith.constant 0 : i32
    %c0_i32_1 = arith.constant 0 : i32
    return %c0_i32, %c0_i32_0 : i32, i32
  }
  func.func @transform_1(%arg0: i32) -> (i32, i32) {
    %c0_i32 = arith.constant 0 : i32
    %c0_i32_0 = arith.constant 0 : i32
    return %c0_i32, %arg0 : i32, i32
  }
  func.func @transform_2(%arg0: i32) -> (i32, i32) {
    %c0_i32 = arith.constant 0 : i32
    %c0_i32_0 = arith.constant 0 : i32
    return %c0_i32, %arg0 : i32, i32
  }
  func.func @transform_3(%arg0: i32) -> (i32, i32) {
    %c0_i32 = arith.constant 0 : i32
    %c0_i32_0 = arith.constant 0 : i32
    return %c0_i32, %arg0 : i32, i32
  }
}

module attributes {stable_mosaic.version = 14 : i64} {
  func.func @_logits_body(%arg0: i32, %arg1: i32, %arg2: memref<1024x768xf32, #tpu.memory_space<vmem>>, %arg3: memref<1024x768xf32, #tpu.memory_space<vmem>>, %arg4: memref<1024x1xf32, #tpu.memory_space<vmem>>, %arg5: memref<1024x1024xf32, #tpu.memory_space<vmem>>, %arg6: memref<1x1xf32, #tpu.memory_space<smem>>) attributes {dimension_semantics = [#tpu.dimension_semantics<arbitrary>, #tpu.dimension_semantics<arbitrary>], iteration_bounds = array<i64: 8, 4>, scalar_prefetch = 0 : i64, scratch_operands = 0 : i64, tpu.core_type = #tpu.core_type<tc>, window_params = [{transform_indices = @transform_0, window_bounds = array<i64: 1024, 768>}, {transform_indices = @transform_1, window_bounds = array<i64: 1024, 768>}, {transform_indices = @transform_2, window_bounds = array<i64: 1024, 1>}, {transform_indices = @transform_3, window_bounds = array<i64: 1024, 1024>}, {transform_indices = @transform_4, window_bounds = array<i64: 1, 1>}]} {
    %get3A = arith.constant 0 : index
    %get3A_0 = arith.constant 0 : index
    %get3A_1 = vector.load %arg2[%get3A, %get3A_0] : memref<1024x768xf32, #tpu.memory_space<vmem>>, vector<1024x768xf32>
    %convert_element_type3A = arith.truncf %get3A_1 : vector<1024x768xf32> to vector<1024x768xbf16>
    %get3A_2 = arith.constant 0 : index
    %get3A_3 = arith.constant 0 : index
    %get3A_4 = vector.load %arg3[%get3A_2, %get3A_3] : memref<1024x768xf32, #tpu.memory_space<vmem>>, vector<1024x768xf32>
    %convert_element_type3A_5 = arith.truncf %get3A_4 : vector<1024x768xf32> to vector<1024x768xbf16>
    %dot_general3A = arith.constant dense<0.000000e+00> : vector<1024x1024xf32>
    %dot_general3A_6 = tpu.matmul %convert_element_type3A, %convert_element_type3A_5, %dot_general3A {dimension_numbers = #tpu.dot_dimension_numbers<[1], [1], [0], [0], [0, 0, 1, 0], [], []>, transpose_lhs_hint = false} : vector<1024x768xbf16>, vector<1024x768xbf16>, vector<1024x1024xf32> -> vector<1024x1024xf32>
    %exp23A = math.exp2 %dot_general3A_6 : vector<1024x1024xf32>
    %swap3A = arith.constant 0 : index
    %swap3A_7 = arith.constant 0 : index
    %swap3A_8 = vector.load %arg5[%swap3A, %swap3A_7] : memref<1024x1024xf32, #tpu.memory_space<vmem>>, vector<1024x1024xf32>
    tpu.vector_store %arg5[%swap3A, %swap3A_7], %exp23A {strides = array<i32>} : memref<1024x1024xf32, #tpu.memory_space<vmem>>, vector<1024x1024xf32>,
    %slice3A = vector.extract_strided_slice %exp23A {offsets = [0, 0], sizes = [1024, 128], strides = [1, 1]} : vector<1024x1024xf32> to vector<1024x128xf32>
    %slice3A_9 = vector.extract_strided_slice %exp23A {offsets = [0, 128], sizes = [1024, 128], strides = [1, 1]} : vector<1024x1024xf32> to vector<1024x128xf32>
    %add3A = arith.addf %slice3A, %slice3A_9 : vector<1024x128xf32>
    %slice3A_10 = vector.extract_strided_slice %exp23A {offsets = [0, 256], sizes = [1024, 128], strides = [1, 1]} : vector<1024x1024xf32> to vector<1024x128xf32>
    %add3A_11 = arith.addf %add3A, %slice3A_10 : vector<1024x128xf32>
    %slice3A_12 = vector.extract_strided_slice %exp23A {offsets = [0, 384], sizes = [1024, 128], strides = [1, 1]} : vector<1024x1024xf32> to vector<1024x128xf32>
    %add3A_13 = arith.addf %add3A_11, %slice3A_12 : vector<1024x128xf32>
    %slice3A_14 = vector.extract_strided_slice %exp23A {offsets = [0, 512], sizes = [1024, 128], strides = [1, 1]} : vector<1024x1024xf32> to vector<1024x128xf32>
    %add3A_15 = arith.addf %add3A_13, %slice3A_14 : vector<1024x128xf32>
    %slice3A_16 = vector.extract_strided_slice %exp23A {offsets = [0, 640], sizes = [1024, 128], strides = [1, 1]} : vector<1024x1024xf32> to vector<1024x128xf32>
    %add3A_17 = arith.addf %add3A_15, %slice3A_16 : vector<1024x128xf32>
    %slice3A_18 = vector.extract_strided_slice %exp23A {offsets = [0, 768], sizes = [1024, 128], strides = [1, 1]} : vector<1024x1024xf32> to vector<1024x128xf32>
    %add3A_19 = arith.addf %add3A_17, %slice3A_18 : vector<1024x128xf32>
    %slice3A_20 = vector.extract_strided_slice %exp23A {offsets = [0, 896], sizes = [1024, 128], strides = [1, 1]} : vector<1024x1024xf32> to vector<1024x128xf32>
    %add3A_21 = arith.addf %add3A_19, %slice3A_20 : vector<1024x128xf32>
    %get3A_22 = arith.constant 0 : index
    %get3A_23 = arith.constant 0 : index
    %get3A_24 = vector.load %arg4[%get3A_22, %get3A_23] : memref<1024x1xf32, #tpu.memory_space<vmem>>, vector<1024x1xf32>
    %exp23A_25 = math.exp2 %get3A_24 : vector<1024x1xf32>
    %mul3A = vector.broadcast %exp23A_25 : vector<1024x1xf32> to vector<1024x128xf32>
    %mul3A_26 = arith.mulf %add3A_21, %mul3A : vector<1024x128xf32>
    %reduce_sum3A = vector.shape_cast %mul3A_26 : vector<1024x128xf32> to vector<1x1024x128xf32>
    %reduce_sum3A_27 = arith.constant dense<0.000000e+00> : vector<1xf32>
    %reduce_sum3A_28 = vector.multi_reduction <add>, %reduce_sum3A, %reduce_sum3A_27 [1, 2] : vector<1x1024x128xf32> to vector<1xf32>
    %reduce_sum3A_29 = vector.shape_cast %reduce_sum3A_28 : vector<1xf32> to vector<1x1x1xf32>
    %reduce_sum3A_30 = vector.extract %reduce_sum3A_29[0, 0, 0] : f32 from vector<1x1x1xf32>
    %eq3A = arith.constant 0 : i32
    %eq3A_31 = arith.cmpi eq, %arg0, %eq3A : i32
    %eq3A_32 = arith.constant 0 : i32
    %eq3A_33 = arith.cmpi eq, %arg1, %eq3A_32 : i32
    %and3A = arith.andi %eq3A_31, %eq3A_33 : i1
    %convert_element_type3A_34 = arith.extui %and3A : i1 to i32
    %cond3A = arith.constant 0 : i32
    %cond3A_35 = arith.cmpi ne, %convert_element_type3A_34, %cond3A : i32
    scf.if %cond3A_35 {
      %swap3A_43 = arith.constant 0.000000e+00 : f32
      %swap3A_44 = arith.constant 0 : index
      %swap3A_45 = arith.constant 0 : index
      %swap3A_46 = memref.load %arg6[%swap3A_44, %swap3A_45] : memref<1x1xf32, #tpu.memory_space<smem>>
      memref.store %swap3A_43, %arg6[%swap3A_44, %swap3A_45] : memref<1x1xf32, #tpu.memory_space<smem>>
    } else {
    }
    %get3A_36 = arith.constant 0 : index
    %get3A_37 = arith.constant 0 : index
    %get3A_38 = memref.load %arg6[%get3A_36, %get3A_37] : memref<1x1xf32, #tpu.memory_space<smem>>
    %add3A_39 = arith.addf %get3A_38, %reduce_sum3A_30 : f32
    %swap3A_40 = arith.constant 0 : index
    %swap3A_41 = arith.constant 0 : index
    %swap3A_42 = memref.load %arg6[%swap3A_40, %swap3A_41] : memref<1x1xf32, #tpu.memory_space<smem>>
    memref.store %add3A_39, %arg6[%swap3A_40, %swap3A_41] : memref<1x1xf32, #tpu.memory_space<smem>>
    return
  }
  func.func @transform_0(%arg0: i32, %arg1: i32) -> (i32, i32) {
    %c0_i32 = arith.constant 0 : i32
    %c0_i32_0 = arith.constant 0 : i32
    return %arg0, %c0_i32 : i32, i32
  }
  func.func @transform_1(%arg0: i32, %arg1: i32) -> (i32, i32) {
    %c0_i32 = arith.constant 0 : i32
    %c0_i32_0 = arith.constant 0 : i32
    return %arg1, %c0_i32 : i32, i32
  }
  func.func @transform_2(%arg0: i32, %arg1: i32) -> (i32, i32) {
    %c0_i32 = arith.constant 0 : i32
    %c0_i32_0 = arith.constant 0 : i32
    return %arg0, %c0_i32 : i32, i32
  }
  func.func @transform_3(%arg0: i32, %arg1: i32) -> (i32, i32) {
    %c0_i32 = arith.constant 0 : i32
    return %arg0, %arg1 : i32, i32
  }
  func.func @transform_4(%arg0: i32, %arg1: i32) -> (i32, i32) {
    %c0_i32 = arith.constant 0 : i32
    %c0_i32_0 = arith.constant 0 : i32
    %c0_i32_1 = arith.constant 0 : i32
    return %c0_i32, %c0_i32_0 : i32, i32
  }
}

module attributes {stable_mosaic.version = 14 : i64} {
  func.func @_final_body(%arg0: memref<1x1xf32, #tpu.memory_space<smem>>, %arg1: memref<8192x1xf32, #tpu.memory_space<vmem>>, %arg2: memref<8192x1xf32, #tpu.memory_space<vmem>>, %arg3: memref<8192x16xf32, #tpu.memory_space<vmem>>, %arg4: memref<32x16xf32, #tpu.memory_space<vmem>>, %arg5: memref<8x128xf32, #tpu.memory_space<vmem>>, %arg6: memref<1x1xf32, #tpu.memory_space<smem>>) attributes {dimension_semantics = [], scalar_prefetch = 0 : i64, scratch_operands = 0 : i64, tpu.core_type = #tpu.core_type<tc>} {
    %get3A = arith.constant 0 : index
    %get3A_0 = arith.constant 0 : index
    %get3A_1 = vector.load %arg1[%get3A, %get3A_0] : memref<8192x1xf32, #tpu.memory_space<vmem>>, vector<8192x1xf32>
    %exp23A = math.exp2 %get3A_1 : vector<8192x1xf32>
    %get3A_2 = arith.constant 0 : index
    %get3A_3 = arith.constant 0 : index
    %get3A_4 = vector.load %arg2[%get3A_2, %get3A_3] : memref<8192x1xf32, #tpu.memory_space<vmem>>, vector<8192x1xf32>
    %exp23A_5 = math.exp2 %get3A_4 : vector<8192x1xf32>
    %get3A_6 = arith.constant 0 : index
    %get3A_7 = arith.constant 0 : index
    %get3A_8 = vector.load %arg3[%get3A_6, %get3A_7] : memref<8192x16xf32, #tpu.memory_space<vmem>>, vector<8192x16xf32>
    %reduce_sum3A = arith.constant dense<0.000000e+00> : vector<8192xf32>
    %reduce_sum3A_9 = vector.multi_reduction <add>, %get3A_8, %reduce_sum3A [1] : vector<8192x16xf32> to vector<8192xf32>
    %broadcast_in_dim3A = vector.shape_cast %reduce_sum3A_9 : vector<8192xf32> to vector<8192x1xf32>
    %sub3A = arith.subf %exp23A_5, %exp23A : vector<8192x1xf32>
    %exp23A_10 = math.exp2 %broadcast_in_dim3A : vector<8192x1xf32>
    %mul3A = arith.mulf %sub3A, %exp23A_10 : vector<8192x1xf32>
    %reduce_sum3A_11 = vector.shape_cast %mul3A : vector<8192x1xf32> to vector<1x8192x1xf32>
    %reduce_sum3A_12 = arith.constant dense<0.000000e+00> : vector<1xf32>
    %reduce_sum3A_13 = vector.multi_reduction <add>, %reduce_sum3A_11, %reduce_sum3A_12 [1, 2] : vector<1x8192x1xf32> to vector<1xf32>
    %reduce_sum3A_14 = vector.shape_cast %reduce_sum3A_13 : vector<1xf32> to vector<1x1x1xf32>
    %reduce_sum3A_15 = vector.extract %reduce_sum3A_14[0, 0, 0] : f32 from vector<1x1x1xf32>
    %get3A_16 = arith.constant 0 : index
    %get3A_17 = arith.constant 0 : index
    %get3A_18 = vector.load %arg4[%get3A_16, %get3A_17] : memref<32x16xf32, #tpu.memory_space<vmem>>, vector<32x16xf32>
    %reduce_sum3A_19 = vector.shape_cast %get3A_18 : vector<32x16xf32> to vector<1x32x16xf32>
    %reduce_sum3A_20 = arith.constant dense<0.000000e+00> : vector<1xf32>
    %reduce_sum3A_21 = vector.multi_reduction <add>, %reduce_sum3A_19, %reduce_sum3A_20 [1, 2] : vector<1x32x16xf32> to vector<1xf32>
    %reduce_sum3A_22 = vector.shape_cast %reduce_sum3A_21 : vector<1xf32> to vector<1x1x1xf32>
    %reduce_sum3A_23 = vector.extract %reduce_sum3A_22[0, 0, 0] : f32 from vector<1x1x1xf32>
    %get3A_24 = arith.constant 0 : index
    %get3A_25 = arith.constant 0 : index
    %get3A_26 = vector.load %arg5[%get3A_24, %get3A_25] : memref<8x128xf32, #tpu.memory_space<vmem>>, vector<8x128xf32>
    %reduce_sum3A_27 = vector.shape_cast %get3A_26 : vector<8x128xf32> to vector<1x8x128xf32>
    %reduce_sum3A_28 = arith.constant dense<0.000000e+00> : vector<1xf32>
    %reduce_sum3A_29 = vector.multi_reduction <add>, %reduce_sum3A_27, %reduce_sum3A_28 [1, 2] : vector<1x8x128xf32> to vector<1xf32>
    %reduce_sum3A_30 = vector.shape_cast %reduce_sum3A_29 : vector<1xf32> to vector<1x1x1xf32>
    %reduce_sum3A_31 = vector.extract %reduce_sum3A_30[0, 0, 0] : f32 from vector<1x1x1xf32>
    %get3A_32 = arith.constant 0 : index
    %get3A_33 = arith.constant 0 : index
    %get3A_34 = memref.load %arg0[%get3A_32, %get3A_33] : memref<1x1xf32, #tpu.memory_space<smem>>
    %add3A = arith.addf %get3A_34, %reduce_sum3A_15 : f32
    %div3A = arith.constant 0x4C000000 : f32
    %div3A_35 = arith.divf %add3A, %div3A : f32
    %div3A_36 = arith.constant 8.192000e+03 : f32
    %div3A_37 = arith.divf %div3A_36, %reduce_sum3A_31 : f32
    %mul3A_38 = arith.mulf %div3A_35, %div3A_37 : f32
    %mul3A_39 = arith.constant -0.693147182 : f32
    %mul3A_40 = arith.mulf %mul3A_39, %reduce_sum3A_23 : f32
    %mul3A_41 = arith.constant 4.096000e+03 : f32
    %mul3A_42 = arith.mulf %reduce_sum3A_31, %mul3A_41 : f32
    %div3A_43 = arith.divf %mul3A_40, %mul3A_42 : f32
    %add3A_44 = arith.addf %mul3A_38, %div3A_43 : f32
    %swap3A = arith.constant 0 : index
    %swap3A_45 = arith.constant 0 : index
    %swap3A_46 = memref.load %arg6[%swap3A, %swap3A_45] : memref<1x1xf32, #tpu.memory_space<smem>>
    memref.store %add3A_44, %arg6[%swap3A, %swap3A_45] : memref<1x1xf32, #tpu.memory_space<smem>>
    return
  }
}

</mosaic_0001>

<sc_bundles>
// kernel: kernel.6.cloned.1.call-start
scs
__scs_entry_jumppad:
0x0: {  	(pc) =	sbr.rel $0x88, $3  }
0x1: {  	(tag) =	ssettag $0x0;
	lr =	simm.s32 $0x1  }
0x2: {  	[smem:$0x3F98] =	sst lr;
	_ =	strace $0xD0000000  }
0x3: {  	_ = 	snop  }
0x4: {  	_ = 	snop  }
0x5: {  	_ = 	snop  }
0x6: {  	_ = 	snop  }
0x7: {  	_ = 	snop  }
__scs_overlays_trampoline_lowered:
0x8: {  	[smem:$0x3FA7] =	sst s0  }
0x9: {  	[smem:$0x3FA8] =	sst s1  }
0xa: {  	[smem:$0x3FA9] =	sst s2  }
0xb: {  	[smem:$0x3FAA] =	sst s3  }
0xc: {  	[smem:$0x3FAB] =	sst s4  }
0xd: {  	[smem:$0x3FAC] =	sst s5  }
0xe: {  	[smem:$0x3FAD] =	sst s6  }
0xf: {  	[smem:$0x3FAE] =	sst s7  }
0x10: {  	[smem:$0x3FAF] =	sst s8  }
0x11: {  	[smem:$0x3FB0] =	sst s9;
	s0 =	simm.s32 @!p0 $0x0  }
0x12: {  	s1 =	sld [smem:$0x3F96];
	s0 =	simm.s32 @p0 $0x1  }
0x13: {  	[smem:$0x3FB1] =	sst s0;
	s0 =	simm.s32 @!p1 $0x0  }
0x14: {  	s2 =	sld [smem:$0x3F95];
	s0 =	simm.s32 @p1 $0x1  }
0x15: {  	[smem:$0x3FB2] =	sst s0;
	s0 =	simm.s32 @!p2 $0x0  }
0x16: {  	s3 =	sld [smem:$0x3FDB];
	s0 =	simm.s32 @p2 $0x1  }
0x17: {  	s4 =	simm.s32 $0x1BF5;
	[smem:$0x3FB4] =	sst s0  }
0x18: {  	s0 =	sld [smem:$0x3F97];
	_ =	swait.ge [sflag:s4], $0x0  }
0x19: {  	s7 =	sld [smem:$0x3F98]  }
0x1a: {  	s8 =	sadd.s32 $0xFFFFE003, lr  }
0x1b: {  	s9 =	sadd.s32 $0xFFFFFEF7, lr;
	s5 =	simm.s32 $0xFFFFFFFF;
	p2 =	slt.u32 s8, $0xFFFFF086  }
0x1c: {  	p1 =	slt.u32 s9, $0xF7A;
	s5 =	simm.s32 @!p2 $0x0  }
0x1d: {  	s5 =	simm.s32 @p1 $0x1;
	p0 =	seq.s32 s7, s2  }
0x1e: {  	s7 =	smul.u32 @!p0 $0xF7A, s2;
	p2 =	seq.s32 @!p0 s5, $0x0  }
0x1f: {  	s9 =	smul.u32 $0xF7A, s1;
	s8 =	simm.s32 @!p0 $0x1BF5;
	p2 =	por !p2, p0  }
0x20: {  	[sflag:s8] =	ssyncset.s32 @!p0 $0xFFFFF086;
	s6 =	sadd.s32 @!p0 s3, s7;
	s7 =	simm.s32 @!p0 $0x108  }
0x21: {  	s3 =	sadd.s32 s3, s9;
	s6 =	sadd.s32 @!p0 $0x88, s6;
	s7 =	simm.s32 @p2 $0x1082  }
0x22: {  	[simem:s7], [sflag:s8] =	dma.local @!p0 [hbm:s6], $0xF7A  }
0x23: {  	s9 =	sor.u32 $0xD0000000, s2;
	s6 =	simm.s32 $0x108;
	_ =	swait.ge @!p0 [sflag:s8], $0x0  }
0x24: {  	s3 =	sadd.s32 $0x88, s3;
	s6 =	simm.s32 @!p1 $0x1082;
	[sflag:s4] =	ssyncset.s32 $0xFFFFF086  }
0x25: {  	[simem:s6], [sflag:s4] =	dma.local [hbm:s3], $0xF7A  }
0x26: {  	[smem:$0x3F98] =	sst s1;
	(tag) =	ssettag s2;
	_ =	strace s9  }
0x27: {  	s1 =	sld [smem:$0x3FA8]  }
0x28: {  	s2 =	sld [smem:$0x3FA9]  }
0x29: {  	s4 =	sld [smem:$0x3FAB]  }
0x2a: {  	p0 =	seq.s32 s5, $0x0;
	s5 =	sld [smem:$0x3FAC]  }
0x2b: {  	s6 =	sld [smem:$0x3FAD]  }
0x2c: {  	s7 =	sld [smem:$0x3FAE]  }
0x2d: {  	s3 =	simm.s32 $0x108;
	s8 =	sld [smem:$0x3FAF]  }
0x2e: {  	s3 =	simm.s32 @!p0 $0x1082;
	s9 =	sld [smem:$0x3FB0]  }
0x2f: {  	lr =	sadd.s32 s0, s3;
	s0 =	sld [smem:$0x3FA7]  }
0x30: {  	s3 =	sld [smem:$0x3FAA]  }
0x31: {  	[smem:$0x3FB3] =	sst s10  }
0x32: {  	s10 =	sld [smem:$0x3FB1];
	_ =	sdelay $0x3  }
0x33: {  	p0 =	seq.s32 s10, $0x1;
	s10 =	sld [smem:$0x3FB3];
	_ =	sdelay $0x3  }
0x34: {  	[smem:$0x3FB3] =	sst s10  }
0x35: {  	s10 =	sld [smem:$0x3FB2];
	_ =	sdelay $0x3  }
0x36: {  	p1 =	seq.s32 s10, $0x1;
	s10 =	sld [smem:$0x3FB3];
	_ =	sdelay $0x3  }
0x37: {  	[smem:$0x3FB3] =	sst s10  }
0x38: {  	s10 =	sld [smem:$0x3FB4]  }
0x39: {  	_ = 	snop;
	(pc) =	sbr.ind lr, $3  }
0x3a: {  	_ = 	snop  }
0x3b: {  	_ = 	snop  }
0x3c: {  	p2 =	seq.s32 s10, $0x1;
	s10 =	sld [smem:$0x3FB3]  }
0x3d: {  	_ =	shalt  }
0x3e: {  	_ =	shalt  }
0x3f: {  	_ =	shalt  }
0x40: {  	_ =	shalt  }
0x41: {  	_ =	shalt  }
0x42: {  	_ =	shalt  }
0x43: {  	_ =	shalt  }
0x44: {  	_ =	shalt  }
0x45: {  	_ =	shalt  }
0x46: {  	_ =	shalt  }
0x47: {  	_ =	shalt  }
0x48: {  	_ =	shalt  }
0x49: {  	_ =	shalt  }
0x4a: {  	_ =	shalt  }
0x4b: {  	_ =	shalt  }
0x4c: {  	_ =	shalt  }
0x4d: {  	_ =	shalt  }
0x4e: {  	_ =	shalt  }
0x4f: {  	_ =	shalt  }
0x50: {  	_ =	shalt  }
0x51: {  	_ =	shalt  }
0x52: {  	_ =	shalt  }
0x53: {  	_ =	shalt  }
0x54: {  	_ =	shalt  }
0x55: {  	_ =	shalt  }
0x56: {  	_ =	shalt  }
0x57: {  	_ =	shalt  }
0x58: {  	_ =	shalt  }
0x59: {  	_ =	shalt  }
0x5a: {  	_ =	shalt  }
0x5b: {  	_ =	shalt  }
0x5c: {  	_ =	shalt  }
0x5d: {  	_ =	shalt  }
0x5e: {  	_ =	shalt  }
0x5f: {  	_ =	shalt  }
0x60: {  	_ =	shalt  }
0x61: {  	_ =	shalt  }
0x62: {  	_ =	shalt  }
0x63: {  	_ =	shalt  }
0x64: {  	_ =	shalt  }
0x65: {  	_ =	shalt  }
0x66: {  	_ =	shalt  }
0x67: {  	_ =	shalt  }
0x68: {  	_ =	shalt  }
0x69: {  	_ =	shalt  }
0x6a: {  	_ =	shalt  }
0x6b: {  	_ =	shalt  }
0x6c: {  	_ =	shalt  }
0x6d: {  	_ =	shalt  }
0x6e: {  	_ =	shalt  }
0x6f: {  	_ =	shalt  }
0x70: {  	_ =	shalt  }
0x71: {  	_ =	shalt  }
0x72: {  	_ =	shalt  }
0x73: {  	_ =	shalt  }
0x74: {  	_ =	shalt  }
0x75: {  	_ =	shalt  }
0x76: {  	_ =	shalt  }
0x77: {  	_ =	shalt  }
0x78: {  	_ =	shalt  }
0x79: {  	_ =	shalt  }
0x7a: {  	_ =	shalt  }
0x7b: {  	_ =	shalt  }
0x7c: {  	_ =	shalt  }
0x7d: {  	_ =	shalt  }
0x7e: {  	_ =	shalt  }
0x7f: {  	_ =	shalt  }
0x80: {  	_ =	shalt  }
0x81: {  	_ =	shalt  }
0x82: {  	_ =	shalt  }
0x83: {  	_ =	shalt  }
0x84: {  	_ =	shalt  }
0x85: {  	_ =	shalt  }
0x86: {  	_ =	shalt  }
0x87: {  	_ =	shalt  }
.Lfunc_end0:
.L_simem_size_0:
called_computation_lowered:
.L_overlay_start_0:
0x88: {  	s2 =	sld [smem:$0x3FD9]  }
0x89: {  	s3 =	sld [smem:$0x3FFE];
	_ =	sdelay $0x1  }
0x8a: {  	s1 =	srdreg.scid  }
0x8b: {  	s0 =	sand.u32 $0x1, s1  }
0x8c: {  	s17 =	sshll.u32 s0, $0xA;
	s2 =	sadd.s32 s3, s2  }
0x8d: {  	s2 =	sadd.s32 s2, s17  }
0x8e: {  	[smem:$0x3FBF] =	sst s2  }
0x8f: {  	_ = 	snop  }
0x90: {  	s2 =	sld [smem:$0x3FC1];
	(tm) =	ssettm $0x1  }
0x91: {  	s18 =	sld [smem:$0x3FFB];
	_ =	sdelay $0x3  }
0x92: {  	_ =	strace s18  }
0x93: {  	s3 =	sld [smem:$0x3FFC];
	_ =	sdelay $0x3  }
0x94: {  	_ =	strace s3  }
0x95: {  	s3 =	sld [smem:$0x3FFD];
	_ =	sdelay $0x3  }
0x96: {  	_ =	strace s3  }
0x97: {  	_ =	strace $0x8FFFFFFF  }
0x98: {  	s19 =	sld [smem:$0x3FDB];
	_ =	sdelay $0x1  }
0x99: {  	s4 =	simm.s32 $_scs_section_size  }
0x9a: {  	s5 =	simm.s32 $_size__tile_overlayer_lowered;
	s6 =	simm.s32 $_tile_overlayer_lowered  }
0x9b: {  	s22 =	simm.s32 $0x1BFF;
	s21 =	sshll.u32 s6, $0x1;
	s3 =	sadd.s32 s4, s19  }
0x9c: {  	s7 =	simm.s32 $0x0;
	s20 =	sshll.u32 s5, $0x1;
	s5 =	sadd.s32 s21, s3  }
0x9d: {  	[timem:s7], [sflag:s22] =	dma.local [hbm:s5], s20  }
0x9e: {  	_ =	swait.ge [sflag:s22], s20  }
0x9f: {  	s4 =	ssub.s32 $0x0, s20;
	[sflag:s22] =	ssyncset.done $0x0  }
0xa0: {  	[sflag:s22] =	ssyncadd.s32 s4;
	_ =	sdelay $0x1  }
0xa1: {  	s23 =	simm.s32 $0x1B8B  }
0xa2: {  	_ =	swait.ge [sflag:s23], $0x1  }
0xa3: {  	[sflag:s23] =	ssyncset.done $0x0  }
0xa4: {  	s25 =	simm.s32 $0x1B8E;
	s24 =	sld [smem:$0x3FFE];
	[sflag:s23] =	ssyncadd.s32 $0xFFFFFFFF  }
0xa5: {  	s26 =	simm.s32 $execute0_lowered;
	[smem:$0x3FD2] =	sst s25  }
0xa6: {  	s5 =	sshll.u32 s26, $0x1;
	_ =	strace $0x80000046;
	[dreg:$0x1] =	wrdreg $0xFFFFFFFF  }
0xa7: {  	s28 =	simm.s32 $_size_execute0_lowered;
	s3 =	sadd.s32 s3, s5;
	[dreg:$0x0] =	wrdreg $0x0  }
0xa8: {  	s5 =	sshll.u32 s28, $0x1;
	[dreg:$0x2] =	wrdreg s3  }
0xa9: {  	[dreg:$0x3] =	wrdreg s5  }
0xaa: {  	[dreg:$0x4] =	wrdreg $0xC0  }
0xab: {  	_ =	task [dreg:s7], $0x5FFFF  }
0xac: {  	[dreg:$0x1] =	wrdreg $0xFFFFFFFF  }
0xad: {  	[dreg:$0x0] =	wrdreg $0x60  }
0xae: {  	[dreg:$0x2] =	wrdreg s24  }
0xaf: {  	[dreg:$0x3] =	wrdreg s2  }
0xb0: {  	[dreg:$0x4] =	wrdreg $0x9  }
0xb1: {  	_ =	task.clear_ibuf [dreg:s7], $0x5FFFF;
	_ =	strace $0x90000046  }
0xb2: {  	s29 =	simm.s32 $0x9;
	_ =	strace $0x80000048  }
0xb3: {  	_ =	swait.ge [sflag:s29], $0x1  }
0xb4: {  	[sflag:s29] =	ssyncadd.s32 $0xFFFFFFFF  }
0xb5: {  	_ =	strace $0x90000048  }
0xb6: {  	_ =	sfence  }
0xb7: {  	s30 =	sld [smem:$0x0];
	_ =	sdelay $0x2  }
0xb8: {  	s31 =	sshll.u32 s1, $0xD;
	s1 =	sshrl.u32 s1, $0x2  }
0xb9: {  	s3 =	sand.u32 $0x4000, s31;
	s1 =	sadd.s32 s1, s30  }
0xba: {  	s0 =	sor.u32 s3, s0;
	s1 =	sshll.u32 s1, $0x11  }
0xbb: {  	s0 =	sor.u32 s1, s0  }
0xbc: {  	s0 =	sadd.s32 $0x8F2B, s0  }
0xbd: {  	[sflag:s0] =	ssyncadd.remote.s32 $0x1  }
0xbe: {  	_ =	sfence.sel $0xFFFF  }
0xbf: {  	[dreg:$0x0] =	wrdreg $0xFFFFFFFF;
	(pc) =	sbr.abs _section_cstart, $3  }
0xc0: {  	[dreg:$0x1] =	wrdreg $0xFFFFFFFF  }
0xc1: {  	_ =	task.clear_ibuf [dreg:s7], $0x2FFFF;
	_ =	strace $0x9FFFFFFF  }
0xc2: {  	(tm) =	ssettm $0x7FFFFFFF  }
0xc3: {  	_ =	shalt  }
tec
execute0_lowered:
.L_overlay_start_1:
0x0: {  	(tag) =	ssettag $0x1  }
0x1: {  	s0 =	rddreg [dreg:$0x0]  }
0x2: {  	s2 =	rddreg [dreg:$0x1];
	s19 =	simm.s32 $0x0;
	s1 =	srdreg.scid  }
0x3: {  	s3 =	stileid.u32;
	s28 =	simm.s32 $0x4C00;
	s29 =	simm.s32 $0x5400  }
0x4: {  	s30 =	simm.s32 $0x5C00;
	s31 =	simm.s32 $0x6400;
	s13 =	simm.s32 $0xA400  }
0x5: {  	s14 =	simm.s32 $0xAC00;
	s15 =	simm.s32 $0xB400;
	s16 =	simm.s32 $0x1  }
0x6: {  	[smem:$0x7FF] =	sst s19;
	s1 =	sand.u32 $0x1, s1;
	s3 =	sshll.u32 s3, $0x1  }
0x7: {  	s4 =	sadd.s32 $0x2A00, s0;
	s5 =	sadd.s32 $0xC2A00, s0;
	s6 =	sadd.s32 $0xC3600, s0  }
0x8: {  	s9 =	sadd.s32 $0x100, s2;
	s10 =	sadd.s32 $0x200, s2;
	s3 =	sor.u32 s1, s3  }
0x9: {  	_ =	strace $0x80000047;
	s1 =	ssub.s32 $0x2, s1;
	s7 =	sshll.u32 s3, $0x4  }
0xa: {  	s17 =	sshll.u32 s3, $0xC;
	s18 =	sshrl.u32 s1, $0x1;
	s8 =	sshll.u32 s3, $0x6  }
0xb: {  	s22 =	sshll.u32 s3, $0x5;
	s3 =	simm.s32 $0xBC00;
	s11 =	sadd.s32 s7, s0  }
0xc: {  	s12 =	sadd.s32 s17, s0;
	s1 =	ssub.s32 s1, s18;
	s20 =	sadd.s32 s5, s8  }
0xd: {  	s21 =	sadd.s32 s6, s8;
	s7 =	sadd.s32 $0x2B00, s0;
	s8 =	sadd.s32 $0x2C00, s0  }
0xe: {  	s0 =	sor.u32 $0x800, s22;
	s17 =	simm.s32 $0x7C00;
	[dreg:$0x3] =	wrdreg s20  }
0xf: {  	s18 =	simm.s32 $0x2;
	[dreg:$0x4] =	wrdreg s21;
	s23 =	sadd.s32 $0xE4200, s11  }
0x10: {  	s24 =	sadd.s32 s5, s0;
	s0 =	sadd.s32 s6, s0;
	[dreg:$0x5] =	wrdreg s23  }
0x11: {  	s25 =	sadd.s32 $0xC4200, s12;
	s26 =	smax.u32 s1, $0x1;
	[dreg:$0x6] =	wrdreg s24  }
0x12: {  	s1 =	simm.s32 $0x7400;
	s5 =	simm.s32 $0x8400;
	[dreg:$0x7] =	wrdreg s0  }
0x13: {  	v2 =	vlaneseq.u32;
	s6 =	simm.s32 $0x8C00;
	s11 =	simm.s32 $0x9400;
	[dreg:$0x8] =	wrdreg s25  }
0x14: {  	vm0 =	vmmov $0xffff;
	v1 =	vshrl.u32 v2, $0x3;
	s12 =	simm.s32 $0x9C00;
	s21 =	simm.s32 $0x0;
	[dreg:$0x9] =	wrdreg s26  }
0x15: {  	v0 =	vand.u32 $0x7, v2;
	v2 =	vor.u32 $0x8, v2;
	v1 =	vmul.u32 $0x8, v1;
	s25 =	simm.s32 $0x3;
	s26 =	simm.s32 $0x200;
	s0 =	simm.s32 $0x6C00  }
.LBB2_1:
0x16: {  	[dreg:$0xa] =	wrdreg s21  }
0x17: {  	s20 =	rddreg [dreg:$0x3]  }
0x18: {  	[tilespmem:s19], [sflag:$0x3] =	stream.linear.gather [hbm4b:s20+s19], $0x200, $0x38;
	[tilespmem:$0x14480] =	vst v63  }
0x19: {  	_ =	swait.ge [sflag:s25], $0x200  }
0x1a: {  	[sflag:s25] =	ssyncset.done $0x0  }
0x1b: {  	s24 =	rddreg [dreg:$0x4];
	[sflag:s25] =	ssyncadd.s32 $0xFFFFFE00  }
0x1c: {  	[tilespmem:s26], [sflag:$0x3] =	stream.linear.gather [hbm4b:s24+s19], $0x200, $0x38;
	[tilespmem:$0x14480] =	vst v63  }
0x1d: {  	_ =	swait.ge [sflag:s25], $0x200  }
0x1e: {  	[sflag:s25] =	ssyncset.done $0x0  }
0x1f: {  	v3 =	vimm.f32 $0.0e+00;
	s19 =	simm.s32 $0x0;
	[sflag:s25] =	ssyncadd.s32 $0xFFFFFE00  }
.LBB2_2:
0x20: {  	s20 =	sshll.u32 s19, $0x5  }
0x21: {  	v4 =	vld [tilespmem:s20+$0x0];
	_ =	sdelay $0x4  }
0x22: {  	v5 =	vshrl.u32 v4, $0x3  }
0x23: {  	v5 =	vmul.u32 $0x30, v5  }
0x24: {  	v4 =	vand.u32 $0x7, v4  }
0x25: {  	v4 =	vor.u32 v4, v5  }
0x26: {  	v5 =	vperm.xlane v4, v0;
	_ =	sdelay $0x1  }
0x27: {  	v5 =	vadd.s32 v1, v5;
	_ =	sdelay $0x3  }
0x28: {  	s21 =	simm.s32 $0x0;
	s22 =	simm.s32 $0x400;
	v4 =	vperm.xlane v4, v2  }
0x29: {  	[tilespmem:s22], [sflag:$0x1] =	stream.indirect_vreg.gather [hbm4b:s4+s21], $0x80, v5, vm0, $0xb8;
	[tilespmem:$0x14480] =	vst v63  }
0x2a: {  	s23 =	simm.s32 $0xC00;
	v4 =	vadd.s32 v1, v4  }
0x2b: {  	[tilespmem:s23], [sflag:$0x1] =	stream.indirect_vreg.gather [hbm4b:s7+s21], $0x80, v5, vm0, $0xb8;
	[tilespmem:$0x14480] =	vst v63  }
0x2c: {  	s24 =	simm.s32 $0x1400  }
0x2d: {  	[tilespmem:s24], [sflag:$0x1] =	stream.indirect_vreg.gather [hbm4b:s8+s21], $0x80, v5, vm0, $0xb8;
	[tilespmem:$0x14480] =	vst v63  }
0x2e: {  	s23 =	simm.s32 $0x1C00  }
0x2f: {  	[tilespmem:s23], [sflag:$0x1] =	stream.indirect_vreg.gather [hbm4b:s4+s21], $0x80, v4, vm0, $0xb8;
	[tilespmem:$0x14480] =	vst v63  }
0x30: {  	s24 =	simm.s32 $0x2400  }
0x31: {  	[tilespmem:s24], [sflag:$0x1] =	stream.indirect_vreg.gather [hbm4b:s7+s21], $0x80, v4, vm0, $0xb8;
	[tilespmem:$0x14480] =	vst v63  }
0x32: {  	s23 =	simm.s32 $0x2C00  }
0x33: {  	[tilespmem:s23], [sflag:$0x1] =	stream.indirect_vreg.gather [hbm4b:s8+s21], $0x80, v4, vm0, $0xb8;
	[tilespmem:$0x14480] =	vst v63  }
0x34: {  	v4 =	vld [tilespmem:s20+$0x10];
	_ =	sdelay $0x4  }
0x35: {  	v5 =	vshrl.u32 v4, $0x3  }
0x36: {  	v5 =	vmul.u32 $0x30, v5  }
0x37: {  	v4 =	vand.u32 $0x7, v4  }
0x38: {  	v4 =	vor.u32 v4, v5  }
0x39: {  	v5 =	vperm.xlane v4, v0;
	_ =	sdelay $0x1  }
0x3a: {  	v5 =	vadd.s32 v1, v5;
	_ =	sdelay $0x3  }
0x3b: {  	s24 =	simm.s32 $0x3400;
	v4 =	vperm.xlane v4, v2  }
0x3c: {  	[tilespmem:s24], [sflag:$0x1] =	stream.indirect_vreg.gather [hbm4b:s4+s21], $0x80, v5, vm0, $0xb8;
	[tilespmem:$0x14480] =	vst v63  }
0x3d: {  	s23 =	simm.s32 $0x3C00;
	v4 =	vadd.s32 v1, v4  }
0x3e: {  	[tilespmem:s23], [sflag:$0x1] =	stream.indirect_vreg.gather [hbm4b:s7+s21], $0x80, v5, vm0, $0xb8;
	[tilespmem:$0x14480] =	vst v63  }
0x3f: {  	s24 =	simm.s32 $0x4400  }
0x40: {  	[tilespmem:s24], [sflag:$0x1] =	stream.indirect_vreg.gather [hbm4b:s8+s21], $0x80, v5, vm0, $0xb8;
	[tilespmem:$0x14480] =	vst v63  }
0x41: {  	_ = 	snop  }
0x42: {  	[tilespmem:s28], [sflag:$0x1] =	stream.indirect_vreg.gather [hbm4b:s4+s21], $0x80, v4, vm0, $0xb8;
	[tilespmem:$0x14480] =	vst v63  }
0x43: {  	_ = 	snop  }
0x44: {  	[tilespmem:s29], [sflag:$0x1] =	stream.indirect_vreg.gather [hbm4b:s7+s21], $0x80, v4, vm0, $0xb8;
	[tilespmem:$0x14480] =	vst v63  }
0x45: {  	_ = 	snop  }
0x46: {  	[tilespmem:s30], [sflag:$0x1] =	stream.indirect_vreg.gather [hbm4b:s8+s21], $0x80, v4, vm0, $0xb8;
	[tilespmem:$0x14480] =	vst v63  }
0x47: {  	v4 =	vld [tilespmem:s20+$0x200];
	_ =	sdelay $0x4  }
0x48: {  	v5 =	vshrl.u32 v4, $0x3  }
0x49: {  	v5 =	vmul.u32 $0x30, v5  }
0x4a: {  	v4 =	vand.u32 $0x7, v4  }
0x4b: {  	v4 =	vor.u32 v4, v5  }
0x4c: {  	v5 =	vperm.xlane v4, v0;
	_ =	sdelay $0x1  }
0x4d: {  	v5 =	vadd.s32 v1, v5;
	_ =	sdelay $0x3  }
0x4e: {  	v4 =	vperm.xlane v4, v2  }
0x4f: {  	[tilespmem:s31], [sflag:$0x2] =	stream.indirect_vreg.gather [hbm4b:s2+s21], $0x80, v5, vm0, $0xb8;
	[tilespmem:$0x14480] =	vst v63  }
0x50: {  	v4 =	vadd.s32 v1, v4  }
0x51: {  	[tilespmem:s0], [sflag:$0x2] =	stream.indirect_vreg.gather [hbm4b:s9+s21], $0x80, v5, vm0, $0xb8;
	[tilespmem:$0x14480] =	vst v63  }
0x52: {  	_ = 	snop  }
0x53: {  	[tilespmem:s1], [sflag:$0x2] =	stream.indirect_vreg.gather [hbm4b:s10+s21], $0x80, v5, vm0, $0xb8;
	[tilespmem:$0x14480] =	vst v63  }
0x54: {  	_ = 	snop  }
0x55: {  	[tilespmem:s17], [sflag:$0x2] =	stream.indirect_vreg.gather [hbm4b:s2+s21], $0x80, v4, vm0, $0xb8;
	[tilespmem:$0x14480] =	vst v63  }
0x56: {  	_ = 	snop  }
0x57: {  	[tilespmem:s5], [sflag:$0x2] =	stream.indirect_vreg.gather [hbm4b:s9+s21], $0x80, v4, vm0, $0xb8;
	[tilespmem:$0x14480] =	vst v63  }
0x58: {  	_ = 	snop  }
0x59: {  	[tilespmem:s6], [sflag:$0x2] =	stream.indirect_vreg.gather [hbm4b:s10+s21], $0x80, v4, vm0, $0xb8;
	[tilespmem:$0x14480] =	vst v63  }
0x5a: {  	v4 =	vld [tilespmem:s20+$0x210];
	_ =	sdelay $0x4  }
0x5b: {  	v5 =	vshrl.u32 v4, $0x3  }
0x5c: {  	v5 =	vmul.u32 $0x30, v5  }
0x5d: {  	v4 =	vand.u32 $0x7, v4  }
0x5e: {  	v4 =	vor.u32 v4, v5  }
0x5f: {  	v5 =	vperm.xlane v4, v0;
	_ =	sdelay $0x1  }
0x60: {  	v5 =	vadd.s32 v1, v5;
	_ =	sdelay $0x3  }
0x61: {  	v4 =	vperm.xlane v4, v2  }
0x62: {  	[tilespmem:s11], [sflag:$0x2] =	stream.indirect_vreg.gather [hbm4b:s2+s21], $0x80, v5, vm0, $0xb8;
	[tilespmem:$0x14480] =	vst v63  }
0x63: {  	v4 =	vadd.s32 v1, v4  }
0x64: {  	[tilespmem:s12], [sflag:$0x2] =	stream.indirect_vreg.gather [hbm4b:s9+s21], $0x80, v5, vm0, $0xb8;
	[tilespmem:$0x14480] =	vst v63  }
0x65: {  	_ = 	snop  }
0x66: {  	[tilespmem:s13], [sflag:$0x2] =	stream.indirect_vreg.gather [hbm4b:s10+s21], $0x80, v5, vm0, $0xb8;
	[tilespmem:$0x14480] =	vst v63  }
0x67: {  	_ = 	snop  }
0x68: {  	[tilespmem:s14], [sflag:$0x2] =	stream.indirect_vreg.gather [hbm4b:s2+s21], $0x80, v4, vm0, $0xb8;
	[tilespmem:$0x14480] =	vst v63  }
0x69: {  	_ = 	snop  }
0x6a: {  	[tilespmem:s15], [sflag:$0x2] =	stream.indirect_vreg.gather [hbm4b:s9+s21], $0x80, v4, vm0, $0xb8;
	[tilespmem:$0x14480] =	vst v63  }
0x6b: {  	_ = 	snop  }
0x6c: {  	[tilespmem:s3], [sflag:$0x2] =	stream.indirect_vreg.gather [hbm4b:s10+s21], $0x80, v4, vm0, $0xb8;
	[tilespmem:$0x14480] =	vst v63  }
0x6d: {  	_ =	swait.ge [sflag:s16], $0x6000  }
0x6e: {  	[sflag:s16] =	ssyncset.done $0x0  }
0x6f: {  	s23 =	simm.s32 $0x0;
	[sflag:s16] =	ssyncadd.s32 $0xFFFFA000  }
0x70: {  	s20 =	smul.u32 $0x1800, s23;
	_ =	swait.ge [sflag:s18], $0x6000  }
0x71: {  	s21 =	sand.u32 $0x380, s21;
	[sflag:s18] =	ssyncset.done $0x0  }
0x72: {  	s22 =	sor.u32 s21, s20;
	[sflag:s18] =	ssyncadd.s32 $0xFFFFA000  }
0x73: {  	v4 =	vld [tilespmem:s22+$0x400]  }
0x74: {  	v5 =	vld [tilespmem:s22+$0x6400]  }
0x75: {  	v6 =	vld [tilespmem:s22+$0x410]  }
0x76: {  	v7 =	vld [tilespmem:s22+$0x6410]  }
0x77: {  	v8 =	vld [tilespmem:s22+$0x420]  }
0x78: {  	v9 =	vld [tilespmem:s22+$0x6420]  }
0x79: {  	v10 =	vld [tilespmem:s22+$0x430]  }
0x7a: {  	v11 =	vld [tilespmem:s22+$0x6430]  }
0x7b: {  	v12 =	vld [tilespmem:s22+$0x440];
	v4 =	vmul.f32 v5, v4;
	v5 =	vmul.f32 v7, v6  }
0x7c: {  	v6 =	vld [tilespmem:s22+$0x6440]  }
0x7d: {  	v7 =	vld [tilespmem:s22+$0x450];
	v4 =	vadd.f32 v5, v4;
	v5 =	vmul.f32 v9, v8  }
0x7e: {  	v8 =	vld [tilespmem:s22+$0x6450]  }
0x7f: {  	v9 =	vld [tilespmem:s22+$0x460];
	v4 =	vadd.f32 v5, v4;
	v5 =	vmul.f32 v11, v10  }
0x80: {  	v10 =	vld [tilespmem:s22+$0x6460]  }
0x81: {  	v11 =	vld [tilespmem:s22+$0x470];
	v4 =	vadd.f32 v5, v4;
	v5 =	vmul.f32 v6, v12  }
0x82: {  	v6 =	vld [tilespmem:s22+$0x6470]  }
0x83: {  	v54 =	vld [tilespmem:s22+$0x800];
	v4 =	vadd.f32 v5, v4;
	v5 =	vmul.f32 v8, v7  }
0x84: {  	v7 =	vld [tilespmem:s22+$0x6800]  }
0x85: {  	v8 =	vld [tilespmem:s22+$0x810];
	v4 =	vadd.f32 v5, v4;
	v5 =	vmul.f32 v10, v9  }
0x86: {  	v9 =	vld [tilespmem:s22+$0x6810]  }
0x87: {  	v10 =	vld [tilespmem:s22+$0x820];
	v4 =	vadd.f32 v5, v4;
	v5 =	vmul.f32 v6, v11  }
0x88: {  	v6 =	vld [tilespmem:s22+$0x6820]  }
0x89: {  	v11 =	vld [tilespmem:s22+$0x830];
	v4 =	vadd.f32 v5, v4;
	v5 =	vmul.f32 v7, v54  }
0x8a: {  	v7 =	vld [tilespmem:s22+$0x6830]  }
0x8b: {  	v55 =	vld [tilespmem:s22+$0x840];
	v4 =	vadd.f32 v5, v4;
	v5 =	vmul.f32 v9, v8  }
0x8c: {  	v8 =	vld [tilespmem:s22+$0x6840]  }
0x8d: {  	v9 =	vld [tilespmem:s22+$0x850];
	v4 =	vadd.f32 v5, v4;
	v5 =	vmul.f32 v6, v10  }
0x8e: {  	v6 =	vld [tilespmem:s22+$0x6850]  }
0x8f: {  	v10 =	vld [tilespmem:s22+$0x860];
	v4 =	vadd.f32 v5, v4;
	v5 =	vmul.f32 v7, v11  }
0x90: {  	v7 =	vld [tilespmem:s22+$0x6860]  }
0x91: {  	v11 =	vld [tilespmem:s22+$0x870];
	v4 =	vadd.f32 v5, v4;
	v5 =	vmul.f32 v8, v55  }
0x92: {  	v8 =	vld [tilespmem:s22+$0x6870]  }
0x93: {  	v56 =	vld [tilespmem:s22+$0xC00];
	v4 =	vadd.f32 v5, v4;
	v5 =	vmul.f32 v6, v9  }
0x94: {  	v6 =	vld [tilespmem:s22+$0x6C00]  }
0x95: {  	v9 =	vld [tilespmem:s22+$0xC10];
	v4 =	vadd.f32 v5, v4;
	v5 =	vmul.f32 v7, v10  }
0x96: {  	v7 =	vld [tilespmem:s22+$0x6C10]  }
0x97: {  	v10 =	vld [tilespmem:s22+$0xC20];
	v4 =	vadd.f32 v5, v4;
	v5 =	vmul.f32 v8, v11  }
0x98: {  	v8 =	vld [tilespmem:s22+$0x6C20]  }
0x99: {  	v11 =	vld [tilespmem:s22+$0xC30];
	v4 =	vadd.f32 v5, v4;
	v5 =	vmul.f32 v6, v56  }
0x9a: {  	v6 =	vld [tilespmem:s22+$0x6C30]  }
0x9b: {  	v57 =	vld [tilespmem:s22+$0xC40];
	v4 =	vadd.f32 v5, v4;
	v5 =	vmul.f32 v7, v9  }
0x9c: {  	v7 =	vld [tilespmem:s22+$0x6C40]  }
0x9d: {  	v9 =	vld [tilespmem:s22+$0xC50];
	v4 =	vadd.f32 v5, v4;
	v5 =	vmul.f32 v8, v10  }
0x9e: {  	v8 =	vld [tilespmem:s22+$0x6C50]  }
0x9f: {  	v10 =	vld [tilespmem:s22+$0xC60];
	v4 =	vadd.f32 v5, v4;
	v5 =	vmul.f32 v6, v11  }
0xa0: {  	v6 =	vld [tilespmem:s22+$0x6C60]  }
0xa1: {  	v11 =	vld [tilespmem:s22+$0xC70];
	v4 =	vadd.f32 v5, v4;
	v5 =	vmul.f32 v7, v57  }
0xa2: {  	v7 =	vld [tilespmem:s22+$0x6C70]  }
0xa3: {  	v58 =	vld [tilespmem:s22+$0x1000];
	v4 =	vadd.f32 v5, v4;
	v5 =	vmul.f32 v8, v9  }
0xa4: {  	v8 =	vld [tilespmem:s22+$0x7000]  }
0xa5: {  	v9 =	vld [tilespmem:s22+$0x1010];
	v4 =	vadd.f32 v5, v4;
	v5 =	vmul.f32 v6, v10  }
0xa6: {  	v6 =	vld [tilespmem:s22+$0x7010]  }
0xa7: {  	v10 =	vld [tilespmem:s22+$0x1020];
	v4 =	vadd.f32 v5, v4;
	v5 =	vmul.f32 v7, v11  }
0xa8: {  	v7 =	vld [tilespmem:s22+$0x7020]  }
0xa9: {  	v11 =	vld [tilespmem:s22+$0x1030];
	v4 =	vadd.f32 v5, v4;
	v5 =	vmul.f32 v8, v58  }
0xaa: {  	v8 =	vld [tilespmem:s22+$0x7030]  }
0xab: {  	v59 =	vld [tilespmem:s22+$0x1040];
	v4 =	vadd.f32 v5, v4;
	v5 =	vmul.f32 v6, v9  }
0xac: {  	v6 =	vld [tilespmem:s22+$0x7040]  }
0xad: {  	v9 =	vld [tilespmem:s22+$0x1050];
	v4 =	vadd.f32 v5, v4;
	v5 =	vmul.f32 v7, v10  }
0xae: {  	v7 =	vld [tilespmem:s22+$0x7050]  }
0xaf: {  	v10 =	vld [tilespmem:s22+$0x1060];
	v4 =	vadd.f32 v5, v4;
	v5 =	vmul.f32 v8, v11  }
0xb0: {  	v8 =	vld [tilespmem:s22+$0x7060]  }
0xb1: {  	v11 =	vld [tilespmem:s22+$0x1070];
	v4 =	vadd.f32 v5, v4;
	v5 =	vmul.f32 v6, v59  }
0xb2: {  	v6 =	vld [tilespmem:s22+$0x7070]  }
0xb3: {  	v60 =	vld [tilespmem:s22+$0x1400];
	v4 =	vadd.f32 v5, v4;
	v5 =	vmul.f32 v7, v9  }
0xb4: {  	v7 =	vld [tilespmem:s22+$0x7400]  }
0xb5: {  	v9 =	vld [tilespmem:s22+$0x1410];
	v4 =	vadd.f32 v5, v4;
	v5 =	vmul.f32 v8, v10  }
0xb6: {  	v8 =	vld [tilespmem:s22+$0x7410]  }
0xb7: {  	v10 =	vld [tilespmem:s22+$0x1420];
	v4 =	vadd.f32 v5, v4;
	v5 =	vmul.f32 v6, v11  }
0xb8: {  	v6 =	vld [tilespmem:s22+$0x7420]  }
0xb9: {  	v11 =	vld [tilespmem:s22+$0x1430];
	v4 =	vadd.f32 v5, v4;
	v5 =	vmul.f32 v7, v60  }
0xba: {  	v7 =	vld [tilespmem:s22+$0x7430]  }
0xbb: {  	v61 =	vld [tilespmem:s22+$0x1440];
	v4 =	vadd.f32 v5, v4;
	v5 =	vmul.f32 v8, v9  }
0xbc: {  	v8 =	vld [tilespmem:s22+$0x7440]  }
0xbd: {  	v9 =	vld [tilespmem:s22+$0x1450];
	v4 =	vadd.f32 v5, v4;
	v5 =	vmul.f32 v6, v10  }
0xbe: {  	v6 =	vld [tilespmem:s22+$0x7450]  }
0xbf: {  	v10 =	vld [tilespmem:s22+$0x1460];
	v4 =	vadd.f32 v5, v4;
	v5 =	vmul.f32 v7, v11  }
0xc0: {  	v7 =	vld [tilespmem:s22+$0x7460]  }
0xc1: {  	v11 =	vld [tilespmem:s22+$0x1470];
	v4 =	vadd.f32 v5, v4;
	v5 =	vmul.f32 v8, v61  }
0xc2: {  	v8 =	vld [tilespmem:s22+$0x7470]  }
0xc3: {  	v62 =	vld [tilespmem:s22+$0x1800];
	v4 =	vadd.f32 v5, v4;
	v5 =	vmul.f32 v6, v9  }
0xc4: {  	v6 =	vld [tilespmem:s22+$0x7800]  }
0xc5: {  	v9 =	vld [tilespmem:s22+$0x1810];
	v4 =	vadd.f32 v5, v4;
	v5 =	vmul.f32 v7, v10  }
0xc6: {  	v7 =	vld [tilespmem:s22+$0x7810]  }
0xc7: {  	v10 =	vld [tilespmem:s22+$0x1820];
	v4 =	vadd.f32 v5, v4;
	v5 =	vmul.f32 v8, v11  }
0xc8: {  	v8 =	vld [tilespmem:s22+$0x7820]  }
0xc9: {  	v63 =	vld [tilespmem:s22+$0x7830];
	v4 =	vadd.f32 v5, v4;
	v5 =	vmul.f32 v6, v62  }
0xca: {  	v11 =	vld [tilespmem:s22+$0x1830]  }
0xcb: {  	v13 =	vld [tilespmem:s22+$0x1840];
	v6 =	vmul.f32 v7, v9;
	v5 =	vadd.f32 v5, v4  }
0xcc: {  	v9 =	vld [tilespmem:s22+$0x7840]  }
0xcd: {  	v4 =	vld [tilespmem:s22+$0x1850];
	v8 =	vmul.f32 v8, v10;
	v7 =	vadd.f32 v6, v5  }
0xce: {  	v6 =	vld [tilespmem:s22+$0x7850]  }
0xcf: {  	s24 =	simm.s32 $0x0;
	v11 =	vmul.f32 v63, v11;
	v5 =	vld [tilespmem:s22+$0x1860];
	v10 =	vadd.f32 v8, v7  }
0xd0: {  	s20 =	smul.u32 $0x1800, s24;
	s21 =	simm.s32 $0x80;
	v8 =	vld [tilespmem:s22+$0x7860]  }
0xd1: {  	s23 =	sand.u32 $0x380, s21;
	v7 =	vld [tilespmem:s22+$0x1870];
	v10 =	vadd.f32 v11, v10;
	v11 =	vmul.f32 v9, v13  }
0xd2: {  	s20 =	sor.u32 s23, s20;
	v9 =	vld [tilespmem:s22+$0x7870];
	s22 =	simm.s32 $0x2  }
.LBB2_3:
0xd3: {  	p0 =	sne.s32 s22, $0x1F;
	v12 =	vld [tilespmem:s20+$0x400];
	v10 =	vadd.f32 v11, v10;
	v4 =	vmul.f32 v6, v4  }
0xd4: {  	v6 =	vld [tilespmem:s20+$0x6400]  }
0xd5: {  	v11 =	vld [tilespmem:s20+$0x410];
	v4 =	vadd.f32 v4, v10;
	v5 =	vmul.f32 v8, v5  }
0xd6: {  	v8 =	vld [tilespmem:s20+$0x6410]  }
0xd7: {  	v10 =	vld [tilespmem:s20+$0x420];
	v4 =	vadd.f32 v5, v4;
	v5 =	vmul.f32 v9, v7  }
0xd8: {  	v7 =	vld [tilespmem:s20+$0x6420]  }
0xd9: {  	v9 =	vld [tilespmem:s20+$0x430];
	v4 =	vadd.f32 v5, v4  }
0xda: {  	v5 =	vld [tilespmem:s20+$0x6430]  }
0xdb: {  	v6 =	vmul.f32 v6, v12;
	v8 =	vmul.f32 v8, v11;
	v11 =	vld [tilespmem:s20+$0x440];
	v3 =	vadd.f32 v4, v3  }
0xdc: {  	v4 =	vld [tilespmem:s20+$0x6440]  }
0xdd: {  	v6 =	vadd.f32 v8, v6;
	v7 =	vmul.f32 v7, v10;
	v8 =	vld [tilespmem:s20+$0x450]  }
0xde: {  	v10 =	vld [tilespmem:s20+$0x6450]  }
0xdf: {  	v6 =	vadd.f32 v7, v6;
	v5 =	vmul.f32 v5, v9;
	v7 =	vld [tilespmem:s20+$0x460]  }
0xe0: {  	v9 =	vld [tilespmem:s20+$0x6460]  }
0xe1: {  	v5 =	vadd.f32 v5, v6;
	v4 =	vmul.f32 v4, v11;
	v6 =	vld [tilespmem:s20+$0x470]  }
0xe2: {  	v11 =	vld [tilespmem:s20+$0x6470]  }
0xe3: {  	v4 =	vadd.f32 v4, v5;
	v5 =	vmul.f32 v10, v8;
	v8 =	vld [tilespmem:s20+$0x800]  }
0xe4: {  	v10 =	vld [tilespmem:s20+$0x6800]  }
0xe5: {  	v4 =	vadd.f32 v5, v4;
	v5 =	vmul.f32 v9, v7;
	v7 =	vld [tilespmem:s20+$0x810]  }
0xe6: {  	v9 =	vld [tilespmem:s20+$0x6810]  }
0xe7: {  	v4 =	vadd.f32 v5, v4;
	v5 =	vmul.f32 v11, v6;
	v6 =	vld [tilespmem:s20+$0x820]  }
0xe8: {  	v11 =	vld [tilespmem:s20+$0x6820]  }
0xe9: {  	v4 =	vadd.f32 v5, v4;
	v5 =	vmul.f32 v10, v8;
	v8 =	vld [tilespmem:s20+$0x830]  }
0xea: {  	v10 =	vld [tilespmem:s20+$0x6830]  }
0xeb: {  	v4 =	vadd.f32 v5, v4;
	v5 =	vmul.f32 v9, v7;
	v7 =	vld [tilespmem:s20+$0x840]  }
0xec: {  	v9 =	vld [tilespmem:s20+$0x6840]  }
0xed: {  	v4 =	vadd.f32 v5, v4;
	v5 =	vmul.f32 v11, v6;
	v6 =	vld [tilespmem:s20+$0x850]  }
0xee: {  	v11 =	vld [tilespmem:s20+$0x6850]  }
0xef: {  	v4 =	vadd.f32 v5, v4;
	v5 =	vmul.f32 v10, v8;
	v8 =	vld [tilespmem:s20+$0x860]  }
0xf0: {  	v10 =	vld [tilespmem:s20+$0x6860]  }
0xf1: {  	v4 =	vadd.f32 v5, v4;
	v5 =	vmul.f32 v9, v7;
	v7 =	vld [tilespmem:s20+$0x870]  }
0xf2: {  	v9 =	vld [tilespmem:s20+$0x6870]  }
0xf3: {  	v4 =	vadd.f32 v5, v4;
	v5 =	vmul.f32 v11, v6;
	v6 =	vld [tilespmem:s20+$0xC00]  }
0xf4: {  	v11 =	vld [tilespmem:s20+$0x6C00]  }
0xf5: {  	v4 =	vadd.f32 v5, v4;
	v5 =	vmul.f32 v10, v8;
	v8 =	vld [tilespmem:s20+$0xC10]  }
0xf6: {  	v10 =	vld [tilespmem:s20+$0x6C10]  }
0xf7: {  	v4 =	vadd.f32 v5, v4;
	v5 =	vmul.f32 v9, v7;
	v7 =	vld [tilespmem:s20+$0xC20]  }
0xf8: {  	v9 =	vld [tilespmem:s20+$0x6C20]  }
0xf9: {  	v4 =	vadd.f32 v5, v4;
	v5 =	vmul.f32 v11, v6;
	v6 =	vld [tilespmem:s20+$0xC30]  }
0xfa: {  	v11 =	vld [tilespmem:s20+$0x6C30]  }
0xfb: {  	v4 =	vadd.f32 v5, v4;
	v5 =	vmul.f32 v10, v8;
	v8 =	vld [tilespmem:s20+$0xC40]  }
0xfc: {  	v10 =	vld [tilespmem:s20+$0x6C40]  }
0xfd: {  	v4 =	vadd.f32 v5, v4;
	v5 =	vmul.f32 v9, v7;
	v7 =	vld [tilespmem:s20+$0xC50]  }
0xfe: {  	v9 =	vld [tilespmem:s20+$0x6C50]  }
0xff: {  	v4 =	vadd.f32 v5, v4;
	v5 =	vmul.f32 v11, v6;
	v6 =	vld [tilespmem:s20+$0xC60]  }
0x100: {  	v11 =	vld [tilespmem:s20+$0x6C60]  }
0x101: {  	v4 =	vadd.f32 v5, v4;
	v5 =	vmul.f32 v10, v8;
	v8 =	vld [tilespmem:s20+$0xC70]  }
0x102: {  	v10 =	vld [tilespmem:s20+$0x6C70]  }
0x103: {  	v4 =	vadd.f32 v5, v4;
	v5 =	vmul.f32 v9, v7;
	v7 =	vld [tilespmem:s20+$0x1000]  }
0x104: {  	v9 =	vld [tilespmem:s20+$0x7000]  }
0x105: {  	v4 =	vadd.f32 v5, v4;
	v5 =	vmul.f32 v11, v6;
	v6 =	vld [tilespmem:s20+$0x1010]  }
0x106: {  	v11 =	vld [tilespmem:s20+$0x7010]  }
0x107: {  	v4 =	vadd.f32 v5, v4;
	v5 =	vmul.f32 v10, v8;
	v8 =	vld [tilespmem:s20+$0x1020]  }
0x108: {  	v10 =	vld [tilespmem:s20+$0x7020]  }
0x109: {  	v4 =	vadd.f32 v5, v4;
	v5 =	vmul.f32 v9, v7;
	v7 =	vld [tilespmem:s20+$0x1030]  }
0x10a: {  	v9 =	vld [tilespmem:s20+$0x7030]  }
0x10b: {  	v4 =	vadd.f32 v5, v4;
	v5 =	vmul.f32 v11, v6;
	v6 =	vld [tilespmem:s20+$0x1040]  }
0x10c: {  	v11 =	vld [tilespmem:s20+$0x7040]  }
0x10d: {  	v4 =	vadd.f32 v5, v4;
	v5 =	vmul.f32 v10, v8;
	v8 =	vld [tilespmem:s20+$0x1050]  }
0x10e: {  	v10 =	vld [tilespmem:s20+$0x7050]  }
0x10f: {  	v4 =	vadd.f32 v5, v4;
	v5 =	vmul.f32 v9, v7;
	v7 =	vld [tilespmem:s20+$0x1060]  }
0x110: {  	v9 =	vld [tilespmem:s20+$0x7060]  }
0x111: {  	v4 =	vadd.f32 v5, v4;
	v5 =	vmul.f32 v11, v6;
	v6 =	vld [tilespmem:s20+$0x1070]  }
0x112: {  	v11 =	vld [tilespmem:s20+$0x7070]  }
0x113: {  	v4 =	vadd.f32 v5, v4;
	v5 =	vmul.f32 v10, v8;
	v8 =	vld [tilespmem:s20+$0x1400]  }
0x114: {  	v10 =	vld [tilespmem:s20+$0x7400]  }
0x115: {  	v4 =	vadd.f32 v5, v4;
	v5 =	vmul.f32 v9, v7;
	v7 =	vld [tilespmem:s20+$0x1410]  }
0x116: {  	v9 =	vld [tilespmem:s20+$0x7410]  }
0x117: {  	v4 =	vadd.f32 v5, v4;
	v5 =	vmul.f32 v11, v6;
	v6 =	vld [tilespmem:s20+$0x1420]  }
0x118: {  	v11 =	vld [tilespmem:s20+$0x7420]  }
0x119: {  	v4 =	vadd.f32 v5, v4;
	v5 =	vmul.f32 v10, v8;
	v8 =	vld [tilespmem:s20+$0x1430]  }
0x11a: {  	v10 =	vld [tilespmem:s20+$0x7430]  }
0x11b: {  	v4 =	vadd.f32 v5, v4;
	v5 =	vmul.f32 v9, v7;
	v7 =	vld [tilespmem:s20+$0x1440]  }
0x11c: {  	v9 =	vld [tilespmem:s20+$0x7440]  }
0x11d: {  	v4 =	vadd.f32 v5, v4;
	v5 =	vmul.f32 v11, v6;
	v6 =	vld [tilespmem:s20+$0x1450]  }
0x11e: {  	v11 =	vld [tilespmem:s20+$0x7450]  }
0x11f: {  	v4 =	vadd.f32 v5, v4;
	v5 =	vmul.f32 v10, v8;
	v8 =	vld [tilespmem:s20+$0x1460]  }
0x120: {  	v10 =	vld [tilespmem:s20+$0x7460]  }
0x121: {  	v4 =	vadd.f32 v5, v4;
	v5 =	vmul.f32 v9, v7;
	v7 =	vld [tilespmem:s20+$0x1470]  }
0x122: {  	v9 =	vld [tilespmem:s20+$0x7470]  }
0x123: {  	v4 =	vadd.f32 v5, v4;
	v5 =	vmul.f32 v11, v6;
	v6 =	vld [tilespmem:s20+$0x1800]  }
0x124: {  	v11 =	vld [tilespmem:s20+$0x7800]  }
0x125: {  	v4 =	vadd.f32 v5, v4;
	v5 =	vmul.f32 v10, v8;
	v8 =	vld [tilespmem:s20+$0x1810]  }
0x126: {  	v10 =	vld [tilespmem:s20+$0x7810]  }
0x127: {  	v4 =	vadd.f32 v5, v4;
	v5 =	vmul.f32 v9, v7;
	v7 =	vld [tilespmem:s20+$0x1820]  }
0x128: {  	v9 =	vld [tilespmem:s20+$0x7820]  }
0x129: {  	v4 =	vadd.f32 v5, v4;
	v5 =	vmul.f32 v11, v6;
	v11 =	vld [tilespmem:s20+$0x1830]  }
0x12a: {  	v12 =	vld [tilespmem:s20+$0x7830]  }
0x12b: {  	v4 =	vadd.f32 v5, v4;
	v5 =	vmul.f32 v10, v8;
	v13 =	vld [tilespmem:s20+$0x1840]  }
0x12c: {  	v14 =	vld [tilespmem:s20+$0x7840]  }
0x12d: {  	v5 =	vadd.f32 v5, v4;
	v7 =	vmul.f32 v9, v7;
	v4 =	vld [tilespmem:s20+$0x1850]  }
.Ltmp0:
0x12e: {  	v6 =	vld [tilespmem:s20+$0x7850];
	(pc) =	sbr.rel @p0 .LBB2_3-.Ltmp0, $4  }
0x12f: {  	s23 =	sshrl.u32 s22, $0x3;
	v7 =	vadd.f32 v7, v5;
	v9 =	vmul.f32 v12, v11;
	v5 =	vld [tilespmem:s20+$0x1860]  }
0x130: {  	s21 =	sadd.s32 $0x80, s21;
	s23 =	smul.u32 $0x1800, s23;
	v8 =	vld [tilespmem:s20+$0x7860]  }
0x131: {  	s24 =	sand.u32 $0x380, s21;
	v10 =	vadd.f32 v9, v7;
	v11 =	vmul.f32 v14, v13;
	v7 =	vld [tilespmem:s20+$0x1870]  }
0x132: {  	s22 =	sadd.s32 $0x1, s22;
	v9 =	vld [tilespmem:s20+$0x7870];
	s20 =	sor.u32 s24, s23  }
0x133: {  	v12 =	vld [tilespmem:s20+$0x400]  }
0x134: {  	v13 =	vld [tilespmem:s20+$0x6400]  }
0x135: {  	v14 =	vld [tilespmem:s20+$0x410]  }
0x136: {  	v15 =	vld [tilespmem:s20+$0x6410]  }
0x137: {  	v16 =	vld [tilespmem:s20+$0x420]  }
0x138: {  	v17 =	vld [tilespmem:s20+$0x6420]  }
0x139: {  	v18 =	vld [tilespmem:s20+$0x430]  }
0x13a: {  	v19 =	vld [tilespmem:s20+$0x6430]  }
0x13b: {  	v58 =	vld [tilespmem:s20+$0x440];
	v12 =	vmul.f32 v13, v12;
	v57 =	vmul.f32 v15, v14  }
0x13c: {  	v59 =	vld [tilespmem:s20+$0x6440]  }
0x13d: {  	v61 =	vld [tilespmem:s20+$0x450];
	v60 =	vmul.f32 v17, v16;
	v12 =	vadd.f32 v57, v12  }
0x13e: {  	v62 =	vld [tilespmem:s20+$0x6450]  }
0x13f: {  	v21 =	vld [tilespmem:s20+$0x460];
	v63 =	vmul.f32 v19, v18;
	v12 =	vadd.f32 v60, v12  }
0x140: {  	v22 =	vld [tilespmem:s20+$0x6460]  }
0x141: {  	v24 =	vld [tilespmem:s20+$0x470];
	v23 =	vmul.f32 v59, v58;
	v12 =	vadd.f32 v63, v12  }
0x142: {  	v25 =	vld [tilespmem:s20+$0x6470]  }
0x143: {  	v27 =	vld [tilespmem:s20+$0x800];
	v26 =	vmul.f32 v62, v61;
	v12 =	vadd.f32 v23, v12  }
0x144: {  	v28 =	vld [tilespmem:s20+$0x6800]  }
0x145: {  	v30 =	vld [tilespmem:s20+$0x810];
	v29 =	vmul.f32 v22, v21;
	v12 =	vadd.f32 v26, v12  }
0x146: {  	v31 =	vld [tilespmem:s20+$0x6810]  }
0x147: {  	v33 =	vld [tilespmem:s20+$0x820];
	v32 =	vmul.f32 v25, v24;
	v12 =	vadd.f32 v29, v12  }
0x148: {  	v34 =	vld [tilespmem:s20+$0x6820]  }
0x149: {  	v36 =	vld [tilespmem:s20+$0x830];
	v35 =	vmul.f32 v28, v27;
	v12 =	vadd.f32 v32, v12  }
0x14a: {  	v37 =	vld [tilespmem:s20+$0x6830]  }
0x14b: {  	v39 =	vld [tilespmem:s20+$0x840];
	v38 =	vmul.f32 v31, v30;
	v12 =	vadd.f32 v35, v12  }
0x14c: {  	v40 =	vld [tilespmem:s20+$0x6840]  }
0x14d: {  	v42 =	vld [tilespmem:s20+$0x850];
	v41 =	vmul.f32 v34, v33;
	v12 =	vadd.f32 v38, v12  }
0x14e: {  	v43 =	vld [tilespmem:s20+$0x6850]  }
0x14f: {  	v45 =	vld [tilespmem:s20+$0x860];
	v44 =	vmul.f32 v37, v36;
	v12 =	vadd.f32 v41, v12  }
0x150: {  	v46 =	vld [tilespmem:s20+$0x6860]  }
0x151: {  	v48 =	vld [tilespmem:s20+$0x870];
	v47 =	vmul.f32 v40, v39;
	v12 =	vadd.f32 v44, v12  }
0x152: {  	v49 =	vld [tilespmem:s20+$0x6870]  }
0x153: {  	v51 =	vld [tilespmem:s20+$0xC00];
	v50 =	vmul.f32 v43, v42;
	v12 =	vadd.f32 v47, v12  }
0x154: {  	v52 =	vld [tilespmem:s20+$0x6C00]  }
0x155: {  	v54 =	vld [tilespmem:s20+$0xC10];
	v53 =	vmul.f32 v46, v45;
	v12 =	vadd.f32 v50, v12  }
0x156: {  	v55 =	vld [tilespmem:s20+$0x6C10]  }
0x157: {  	v56 =	vmul.f32 v49, v48;
	v58 =	vld [tilespmem:s20+$0x6C20];
	v12 =	vadd.f32 v53, v12  }
0x158: {  	v57 =	vld [tilespmem:s20+$0xC20]  }
0x159: {  	v59 =	vmul.f32 v52, v51;
	v61 =	vld [tilespmem:s20+$0x6C30];
	v12 =	vadd.f32 v56, v12  }
0x15a: {  	v60 =	vld [tilespmem:s20+$0xC30]  }
0x15b: {  	v62 =	vmul.f32 v55, v54;
	v21 =	vld [tilespmem:s20+$0x6C40];
	v12 =	vadd.f32 v59, v12  }
0x15c: {  	v63 =	vld [tilespmem:s20+$0xC40]  }
0x15d: {  	v24 =	vld [tilespmem:s20+$0x6C50];
	v22 =	vmul.f32 v58, v57;
	v12 =	vadd.f32 v62, v12  }
0x15e: {  	v23 =	vld [tilespmem:s20+$0xC50]  }
0x15f: {  	v27 =	vld [tilespmem:s20+$0x6C60];
	v25 =	vmul.f32 v61, v60;
	v12 =	vadd.f32 v22, v12  }
0x160: {  	v26 =	vld [tilespmem:s20+$0xC60]  }
0x161: {  	v30 =	vld [tilespmem:s20+$0x6C70];
	v28 =	vmul.f32 v21, v63;
	v12 =	vadd.f32 v25, v12  }
0x162: {  	v29 =	vld [tilespmem:s20+$0xC70]  }
0x163: {  	v33 =	vld [tilespmem:s20+$0x7000];
	v31 =	vmul.f32 v24, v23;
	v12 =	vadd.f32 v28, v12  }
0x164: {  	v32 =	vld [tilespmem:s20+$0x1000]  }
0x165: {  	v36 =	vld [tilespmem:s20+$0x7010];
	v34 =	vmul.f32 v27, v26;
	v12 =	vadd.f32 v31, v12  }
0x166: {  	v35 =	vld [tilespmem:s20+$0x1010]  }
0x167: {  	v39 =	vld [tilespmem:s20+$0x7020];
	v37 =	vmul.f32 v30, v29;
	v12 =	vadd.f32 v34, v12  }
0x168: {  	v38 =	vld [tilespmem:s20+$0x1020]  }
0x169: {  	v42 =	vld [tilespmem:s20+$0x7030];
	v40 =	vmul.f32 v33, v32;
	v12 =	vadd.f32 v37, v12  }
0x16a: {  	v41 =	vld [tilespmem:s20+$0x1030]  }
0x16b: {  	v45 =	vld [tilespmem:s20+$0x7040];
	v43 =	vmul.f32 v36, v35;
	v12 =	vadd.f32 v40, v12  }
0x16c: {  	v44 =	vld [tilespmem:s20+$0x1040]  }
0x16d: {  	v48 =	vld [tilespmem:s20+$0x7050];
	v46 =	vmul.f32 v39, v38;
	v12 =	vadd.f32 v43, v12  }
0x16e: {  	v47 =	vld [tilespmem:s20+$0x1050]  }
0x16f: {  	v51 =	vld [tilespmem:s20+$0x7060];
	v49 =	vmul.f32 v42, v41;
	v12 =	vadd.f32 v46, v12  }
0x170: {  	v50 =	vld [tilespmem:s20+$0x1060]  }
0x171: {  	v54 =	vld [tilespmem:s20+$0x7070];
	v52 =	vmul.f32 v45, v44;
	v12 =	vadd.f32 v49, v12  }
0x172: {  	v53 =	vld [tilespmem:s20+$0x1070]  }
0x173: {  	v57 =	vld [tilespmem:s20+$0x7400];
	v55 =	vmul.f32 v48, v47;
	v12 =	vadd.f32 v52, v12  }
0x174: {  	v56 =	vld [tilespmem:s20+$0x1400]  }
0x175: {  	v60 =	vld [tilespmem:s20+$0x7410];
	v58 =	vmul.f32 v51, v50;
	v12 =	vadd.f32 v55, v12  }
0x176: {  	v59 =	vld [tilespmem:s20+$0x1410]  }
0x177: {  	v63 =	vld [tilespmem:s20+$0x7420];
	v61 =	vmul.f32 v54, v53;
	v12 =	vadd.f32 v58, v12  }
0x178: {  	v62 =	vld [tilespmem:s20+$0x1420]  }
0x179: {  	v21 =	vld [tilespmem:s20+$0x1430];
	v20 =	vmul.f32 v57, v56;
	v12 =	vadd.f32 v61, v12  }
0x17a: {  	v22 =	vld [tilespmem:s20+$0x7430]  }
0x17b: {  	v24 =	vld [tilespmem:s20+$0x1440];
	v23 =	vmul.f32 v60, v59;
	v12 =	vadd.f32 v20, v12  }
0x17c: {  	v25 =	vld [tilespmem:s20+$0x7440]  }
0x17d: {  	v27 =	vld [tilespmem:s20+$0x1450];
	v26 =	vmul.f32 v63, v62;
	v12 =	vadd.f32 v23, v12  }
0x17e: {  	v28 =	vld [tilespmem:s20+$0x7450]  }
0x17f: {  	v30 =	vld [tilespmem:s20+$0x1460];
	v29 =	vmul.f32 v22, v21;
	v12 =	vadd.f32 v26, v12  }
0x180: {  	v31 =	vld [tilespmem:s20+$0x7460]  }
0x181: {  	v33 =	vld [tilespmem:s20+$0x1470];
	v32 =	vmul.f32 v25, v24;
	v12 =	vadd.f32 v29, v12  }
0x182: {  	v34 =	vld [tilespmem:s20+$0x7470]  }
0x183: {  	v36 =	vld [tilespmem:s20+$0x1800];
	v35 =	vmul.f32 v28, v27;
	v12 =	vadd.f32 v32, v12  }
0x184: {  	v37 =	vld [tilespmem:s20+$0x7800]  }
0x185: {  	v39 =	vld [tilespmem:s20+$0x1810];
	v38 =	vmul.f32 v31, v30;
	v12 =	vadd.f32 v35, v12  }
0x186: {  	v40 =	vld [tilespmem:s20+$0x7810]  }
0x187: {  	v42 =	vld [tilespmem:s20+$0x1820];
	v41 =	vmul.f32 v34, v33;
	v12 =	vadd.f32 v38, v12  }
0x188: {  	v43 =	vld [tilespmem:s20+$0x7820]  }
0x189: {  	v45 =	vld [tilespmem:s20+$0x1830];
	v44 =	vmul.f32 v37, v36;
	v12 =	vadd.f32 v41, v12  }
0x18a: {  	v46 =	vld [tilespmem:s20+$0x7830]  }
0x18b: {  	v48 =	vld [tilespmem:s20+$0x1840];
	v47 =	vmul.f32 v40, v39;
	v12 =	vadd.f32 v44, v12  }
0x18c: {  	v49 =	vld [tilespmem:s20+$0x7840]  }
0x18d: {  	v51 =	vld [tilespmem:s20+$0x1850];
	v50 =	vmul.f32 v43, v42;
	v12 =	vadd.f32 v47, v12  }
0x18e: {  	v52 =	vld [tilespmem:s20+$0x7850]  }
0x18f: {  	v54 =	vld [tilespmem:s20+$0x1860];
	v53 =	vmul.f32 v46, v45;
	v12 =	vadd.f32 v50, v12  }
0x190: {  	v10 =	vadd.f32 v11, v10;
	v4 =	vmul.f32 v6, v4;
	v55 =	vld [tilespmem:s20+$0x7860]  }
0x191: {  	v59 =	vld [tilespmem:s20+$0x7870];
	v57 =	vmul.f32 v49, v48;
	v56 =	vadd.f32 v53, v12  }
0x192: {  	v4 =	vadd.f32 v4, v10;
	v5 =	vmul.f32 v8, v5;
	v58 =	vld [tilespmem:s20+$0x1870]  }
0x193: {  	v61 =	vmul.f32 v52, v51;
	v60 =	vadd.f32 v57, v56  }
0x194: {  	v4 =	vadd.f32 v5, v4  }
0x195: {  	s19 =	sadd.s32 $0x1, s19;
	v5 =	vmul.f32 v9, v7;
	v6 =	vmul.f32 v55, v54;
	v62 =	vadd.f32 v61, v60  }
0x196: {  	p0 =	sne.s32 s19, $0x10  }
.Ltmp1:
0x197: {  	v4 =	vadd.f32 v5, v4;
	v63 =	vmul.f32 v59, v58;
	v5 =	vadd.f32 v6, v62;
	(pc) =	sbr.rel @p0 .LBB2_2-.Ltmp1, $3  }
0x198: {  	_ = 	snop  }
0x199: {  	v3 =	vadd.f32 v4, v3;
	v4 =	vadd.f32 v63, v5;
	_ =	sdelay $0x1  }
0x19a: {  	v3 =	vadd.f32 v4, v3  }
0x19b: {  	_ = 	snop  }
0x19c: {  	s19 =	simm.s32 $0x0;
	s20 =	rddreg [dreg:$0x5];
	s21 =	simm.s32 $0x14400;
	[tilespmem:$0x14400] =	vst v3  }
0x19d: {  	[hbm4b:s20+s19] =	stream.linear.scatter [tilespmem:s21], [sflag:$0x3], $0x80, $0x38;
	[tilespmem:$0x14480] =	vst v63  }
0x19e: {  	_ =	swait.ge [sflag:s25], $0x80  }
0x19f: {  	[sflag:s25] =	ssyncset.done $0x0  }
0x1a0: {  	s23 =	rddreg [dreg:$0x6];
	[sflag:s25] =	ssyncadd.s32 $0xFFFFFF80  }
0x1a1: {  	[tilespmem:s19], [sflag:$0x3] =	stream.linear.gather [hbm4b:s23+s19], $0x100, $0x38;
	[tilespmem:$0x14480] =	vst v63  }
0x1a2: {  	_ =	swait.ge [sflag:s25], $0x100  }
0x1a3: {  	[sflag:s25] =	ssyncset.done $0x0  }
0x1a4: {  	s24 =	rddreg [dreg:$0x7];
	[sflag:s25] =	ssyncadd.s32 $0xFFFFFF00  }
0x1a5: {  	[tilespmem:s26], [sflag:$0x3] =	stream.linear.gather [hbm4b:s24+s19], $0x100, $0x38;
	[tilespmem:$0x14480] =	vst v63  }
0x1a6: {  	_ =	swait.ge [sflag:s25], $0x100  }
0x1a7: {  	[sflag:s25] =	ssyncset.done $0x0  }
0x1a8: {  	s22 =	simm.s32 $0xC400;
	s21 =	simm.s32 $0x0;
	[sflag:s25] =	ssyncadd.s32 $0xFFFFFF00  }
.LBB2_6:
0x1a9: {  	s20 =	sshll.u32 s21, $0x5  }
0x1aa: {  	v3 =	vld [tilespmem:s20+$0x0];
	_ =	sdelay $0x4  }
0x1ab: {  	v4 =	vshrl.u32 v3, $0x3  }
0x1ac: {  	v4 =	vmul.u32 $0x30, v4  }
0x1ad: {  	v3 =	vand.u32 $0x7, v3  }
0x1ae: {  	v3 =	vor.u32 v3, v4  }
0x1af: {  	v4 =	vperm.xlane v3, v0;
	_ =	sdelay $0x1  }
0x1b0: {  	v4 =	vadd.s32 v1, v4;
	_ =	sdelay $0x3  }
0x1b1: {  	s23 =	simm.s32 $0x400;
	v3 =	vperm.xlane v3, v2  }
0x1b2: {  	[tilespmem:s23], [sflag:$0x1] =	stream.indirect_vreg.gather [hbm4b:s4+s19], $0x80, v4, vm0, $0xb8;
	[tilespmem:$0x14480] =	vst v63  }
0x1b3: {  	s25 =	simm.s32 $0xC00;
	v3 =	vadd.s32 v1, v3  }
0x1b4: {  	[tilespmem:s25], [sflag:$0x1] =	stream.indirect_vreg.gather [hbm4b:s7+s19], $0x80, v4, vm0, $0xb8;
	[tilespmem:$0x14480] =	vst v63  }
0x1b5: {  	s26 =	simm.s32 $0x1400  }
0x1b6: {  	[tilespmem:s26], [sflag:$0x1] =	stream.indirect_vreg.gather [hbm4b:s8+s19], $0x80, v4, vm0, $0xb8;
	[tilespmem:$0x14480] =	vst v63  }
0x1b7: {  	s24 =	simm.s32 $0x1C00  }
0x1b8: {  	[tilespmem:s24], [sflag:$0x1] =	stream.indirect_vreg.gather [hbm4b:s4+s19], $0x80, v3, vm0, $0xb8;
	[tilespmem:$0x14480] =	vst v63  }
0x1b9: {  	s25 =	simm.s32 $0x2400  }
0x1ba: {  	[tilespmem:s25], [sflag:$0x1] =	stream.indirect_vreg.gather [hbm4b:s7+s19], $0x80, v3, vm0, $0xb8;
	[tilespmem:$0x14480] =	vst v63  }
0x1bb: {  	s26 =	simm.s32 $0x2C00  }
0x1bc: {  	[tilespmem:s26], [sflag:$0x1] =	stream.indirect_vreg.gather [hbm4b:s8+s19], $0x80, v3, vm0, $0xb8;
	[tilespmem:$0x14480] =	vst v63  }
0x1bd: {  	v3 =	vld [tilespmem:s20+$0x10];
	_ =	sdelay $0x4  }
0x1be: {  	v29 =	vshrl.u32 v3, $0x3  }
0x1bf: {  	v4 =	vmul.u32 $0x30, v29  }
0x1c0: {  	v3 =	vand.u32 $0x7, v3  }
0x1c1: {  	v3 =	vor.u32 v3, v4  }
0x1c2: {  	v4 =	vperm.xlane v3, v0;
	_ =	sdelay $0x1  }
0x1c3: {  	v4 =	vadd.s32 v1, v4;
	_ =	sdelay $0x3  }
0x1c4: {  	s24 =	simm.s32 $0x3400;
	v3 =	vperm.xlane v3, v2  }
0x1c5: {  	[tilespmem:s24], [sflag:$0x1] =	stream.indirect_vreg.gather [hbm4b:s4+s19], $0x80, v4, vm0, $0xb8;
	[tilespmem:$0x14480] =	vst v63  }
0x1c6: {  	s25 =	simm.s32 $0x3C00;
	v3 =	vadd.s32 v1, v3  }
0x1c7: {  	[tilespmem:s25], [sflag:$0x1] =	stream.indirect_vreg.gather [hbm4b:s7+s19], $0x80, v4, vm0, $0xb8;
	[tilespmem:$0x14480] =	vst v63  }
0x1c8: {  	s26 =	simm.s32 $0x4400  }
0x1c9: {  	[tilespmem:s26], [sflag:$0x1] =	stream.indirect_vreg.gather [hbm4b:s8+s19], $0x80, v4, vm0, $0xb8;
	[tilespmem:$0x14480] =	vst v63  }
0x1ca: {  	_ = 	snop  }
0x1cb: {  	[tilespmem:s28], [sflag:$0x1] =	stream.indirect_vreg.gather [hbm4b:s4+s19], $0x80, v3, vm0, $0xb8;
	[tilespmem:$0x14480] =	vst v63  }
0x1cc: {  	_ = 	snop  }
0x1cd: {  	[tilespmem:s29], [sflag:$0x1] =	stream.indirect_vreg.gather [hbm4b:s7+s19], $0x80, v3, vm0, $0xb8;
	[tilespmem:$0x14480] =	vst v63  }
0x1ce: {  	_ = 	snop  }
0x1cf: {  	[tilespmem:s30], [sflag:$0x1] =	stream.indirect_vreg.gather [hbm4b:s8+s19], $0x80, v3, vm0, $0xb8;
	[tilespmem:$0x14480] =	vst v63  }
0x1d0: {  	v3 =	vld [tilespmem:s20+$0x200];
	_ =	sdelay $0x4  }
0x1d1: {  	v30 =	vshrl.u32 v3, $0x3  }
0x1d2: {  	v4 =	vmul.u32 $0x30, v30  }
0x1d3: {  	v3 =	vand.u32 $0x7, v3  }
0x1d4: {  	v3 =	vor.u32 v3, v4  }
0x1d5: {  	v4 =	vperm.xlane v3, v0;
	_ =	sdelay $0x1  }
0x1d6: {  	v4 =	vadd.s32 v1, v4;
	_ =	sdelay $0x3  }
0x1d7: {  	v3 =	vperm.xlane v3, v2  }
0x1d8: {  	[tilespmem:s31], [sflag:$0x2] =	stream.indirect_vreg.gather [hbm4b:s2+s19], $0x80, v4, vm0, $0xb8;
	[tilespmem:$0x14480] =	vst v63  }
0x1d9: {  	v3 =	vadd.s32 v1, v3  }
0x1da: {  	[tilespmem:s0], [sflag:$0x2] =	stream.indirect_vreg.gather [hbm4b:s9+s19], $0x80, v4, vm0, $0xb8;
	[tilespmem:$0x14480] =	vst v63  }
0x1db: {  	_ = 	snop  }
0x1dc: {  	[tilespmem:s1], [sflag:$0x2] =	stream.indirect_vreg.gather [hbm4b:s10+s19], $0x80, v4, vm0, $0xb8;
	[tilespmem:$0x14480] =	vst v63  }
0x1dd: {  	_ = 	snop  }
0x1de: {  	[tilespmem:s17], [sflag:$0x2] =	stream.indirect_vreg.gather [hbm4b:s2+s19], $0x80, v3, vm0, $0xb8;
	[tilespmem:$0x14480] =	vst v63  }
0x1df: {  	_ = 	snop  }
0x1e0: {  	[tilespmem:s5], [sflag:$0x2] =	stream.indirect_vreg.gather [hbm4b:s9+s19], $0x80, v3, vm0, $0xb8;
	[tilespmem:$0x14480] =	vst v63  }
0x1e1: {  	_ = 	snop  }
0x1e2: {  	[tilespmem:s6], [sflag:$0x2] =	stream.indirect_vreg.gather [hbm4b:s10+s19], $0x80, v3, vm0, $0xb8;
	[tilespmem:$0x14480] =	vst v63  }
0x1e3: {  	v3 =	vld [tilespmem:s20+$0x210];
	_ =	sdelay $0x4  }
0x1e4: {  	v31 =	vshrl.u32 v3, $0x3  }
0x1e5: {  	v4 =	vmul.u32 $0x30, v31  }
0x1e6: {  	v3 =	vand.u32 $0x7, v3  }
0x1e7: {  	v3 =	vor.u32 v3, v4  }
0x1e8: {  	v4 =	vperm.xlane v3, v0;
	_ =	sdelay $0x1  }
0x1e9: {  	v4 =	vadd.s32 v1, v4;
	_ =	sdelay $0x3  }
0x1ea: {  	v3 =	vperm.xlane v3, v2  }
0x1eb: {  	[tilespmem:s11], [sflag:$0x2] =	stream.indirect_vreg.gather [hbm4b:s2+s19], $0x80, v4, vm0, $0xb8;
	[tilespmem:$0x14480] =	vst v63  }
0x1ec: {  	v3 =	vadd.s32 v1, v3  }
0x1ed: {  	[tilespmem:s12], [sflag:$0x2] =	stream.indirect_vreg.gather [hbm4b:s9+s19], $0x80, v4, vm0, $0xb8;
	[tilespmem:$0x14480] =	vst v63  }
0x1ee: {  	_ = 	snop  }
0x1ef: {  	[tilespmem:s13], [sflag:$0x2] =	stream.indirect_vreg.gather [hbm4b:s10+s19], $0x80, v4, vm0, $0xb8;
	[tilespmem:$0x14480] =	vst v63  }
0x1f0: {  	_ = 	snop  }
0x1f1: {  	[tilespmem:s14], [sflag:$0x2] =	stream.indirect_vreg.gather [hbm4b:s2+s19], $0x80, v3, vm0, $0xb8;
	[tilespmem:$0x14480] =	vst v63  }
0x1f2: {  	_ = 	snop  }
0x1f3: {  	[tilespmem:s15], [sflag:$0x2] =	stream.indirect_vreg.gather [hbm4b:s9+s19], $0x80, v3, vm0, $0xb8;
	[tilespmem:$0x14480] =	vst v63  }
0x1f4: {  	_ = 	snop  }
0x1f5: {  	[tilespmem:s3], [sflag:$0x2] =	stream.indirect_vreg.gather [hbm4b:s10+s19], $0x80, v3, vm0, $0xb8;
	[tilespmem:$0x14480] =	vst v63  }
0x1f6: {  	_ =	swait.ge [sflag:s16], $0x6000  }
0x1f7: {  	[sflag:s16] =	ssyncset.done $0x0  }
0x1f8: {  	s23 =	simm.s32 $0x0;
	[sflag:s16] =	ssyncadd.s32 $0xFFFFA000  }
0x1f9: {  	s20 =	smul.u32 $0x1800, s23;
	_ =	swait.ge [sflag:s18], $0x6000  }
0x1fa: {  	s24 =	sand.u32 $0x380, s19;
	[sflag:s18] =	ssyncset.done $0x0  }
0x1fb: {  	s20 =	sor.u32 s24, s20;
	[sflag:s18] =	ssyncadd.s32 $0xFFFFA000  }
0x1fc: {  	v3 =	vld [tilespmem:s20+$0x6400]  }
0x1fd: {  	v32 =	vld [tilespmem:s20+$0x400]  }
0x1fe: {  	v5 =	vld [tilespmem:s20+$0x410]  }
0x1ff: {  	v6 =	vld [tilespmem:s20+$0x6410]  }
0x200: {  	v7 =	vld [tilespmem:s20+$0x420]  }
0x201: {  	v8 =	vld [tilespmem:s20+$0x6420]  }
0x202: {  	v9 =	vld [tilespmem:s20+$0x430]  }
0x203: {  	v10 =	vld [tilespmem:s20+$0x6430]  }
0x204: {  	v34 =	vld [tilespmem:s20+$0x440];
	v3 =	vmul.f32 v3, v32;
	v33 =	vmul.f32 v6, v5  }
0x205: {  	v35 =	vld [tilespmem:s20+$0x6440]  }
0x206: {  	v37 =	vld [tilespmem:s20+$0x450];
	v36 =	vmul.f32 v8, v7;
	v3 =	vadd.f32 v33, v3  }
0x207: {  	v38 =	vld [tilespmem:s20+$0x6450]  }
0x208: {  	v40 =	vld [tilespmem:s20+$0x460];
	v39 =	vmul.f32 v10, v9;
	v3 =	vadd.f32 v36, v3  }
0x209: {  	v41 =	vld [tilespmem:s20+$0x6460]  }
0x20a: {  	v43 =	vld [tilespmem:s20+$0x470];
	v42 =	vmul.f32 v35, v34;
	v3 =	vadd.f32 v39, v3  }
0x20b: {  	v44 =	vld [tilespmem:s20+$0x6470]  }
0x20c: {  	v46 =	vld [tilespmem:s20+$0x800];
	v45 =	vmul.f32 v38, v37;
	v3 =	vadd.f32 v42, v3  }
0x20d: {  	v47 =	vld [tilespmem:s20+$0x6800]  }
0x20e: {  	v49 =	vld [tilespmem:s20+$0x810];
	v48 =	vmul.f32 v41, v40;
	v3 =	vadd.f32 v45, v3  }
0x20f: {  	v50 =	vld [tilespmem:s20+$0x6810]  }
0x210: {  	v52 =	vld [tilespmem:s20+$0x820];
	v51 =	vmul.f32 v44, v43;
	v3 =	vadd.f32 v48, v3  }
0x211: {  	v53 =	vld [tilespmem:s20+$0x6820]  }
0x212: {  	v55 =	vld [tilespmem:s20+$0x830];
	v54 =	vmul.f32 v47, v46;
	v3 =	vadd.f32 v51, v3  }
0x213: {  	v56 =	vld [tilespmem:s20+$0x6830]  }
0x214: {  	v58 =	vld [tilespmem:s20+$0x840];
	v57 =	vmul.f32 v50, v49;
	v3 =	vadd.f32 v54, v3  }
0x215: {  	v59 =	vld [tilespmem:s20+$0x6840]  }
0x216: {  	v61 =	vld [tilespmem:s20+$0x850];
	v60 =	vmul.f32 v53, v52;
	v3 =	vadd.f32 v57, v3  }
0x217: {  	v62 =	vld [tilespmem:s20+$0x6850]  }
0x218: {  	v12 =	vld [tilespmem:s20+$0x860];
	v63 =	vmul.f32 v56, v55;
	v3 =	vadd.f32 v60, v3  }
0x219: {  	v13 =	vld [tilespmem:s20+$0x6860]  }
0x21a: {  	v15 =	vld [tilespmem:s20+$0x870];
	v14 =	vmul.f32 v59, v58;
	v3 =	vadd.f32 v63, v3  }
0x21b: {  	v16 =	vld [tilespmem:s20+$0x6870]  }
0x21c: {  	v18 =	vld [tilespmem:s20+$0xC00];
	v17 =	vmul.f32 v62, v61;
	v3 =	vadd.f32 v14, v3  }
0x21d: {  	v19 =	vld [tilespmem:s20+$0x6C00]  }
0x21e: {  	v21 =	vld [tilespmem:s20+$0xC10];
	v20 =	vmul.f32 v13, v12;
	v3 =	vadd.f32 v17, v3  }
0x21f: {  	v22 =	vld [tilespmem:s20+$0x6C10]  }
0x220: {  	v24 =	vld [tilespmem:s20+$0xC20];
	v23 =	vmul.f32 v16, v15;
	v3 =	vadd.f32 v20, v3  }
0x221: {  	v25 =	vld [tilespmem:s20+$0x6C20]  }
0x222: {  	v27 =	vld [tilespmem:s20+$0xC30];
	v26 =	vmul.f32 v19, v18;
	v3 =	vadd.f32 v23, v3  }
0x223: {  	v28 =	vld [tilespmem:s20+$0x6C30]  }
0x224: {  	v30 =	vld [tilespmem:s20+$0xC40];
	v29 =	vmul.f32 v22, v21;
	v3 =	vadd.f32 v26, v3  }
0x225: {  	v31 =	vld [tilespmem:s20+$0x6C40]  }
0x226: {  	v32 =	vmul.f32 v25, v24;
	v34 =	vld [tilespmem:s20+$0x6C50];
	v3 =	vadd.f32 v29, v3  }
0x227: {  	v33 =	vld [tilespmem:s20+$0xC50]  }
0x228: {  	v35 =	vmul.f32 v28, v27;
	v37 =	vld [tilespmem:s20+$0x6C60];
	v3 =	vadd.f32 v32, v3  }
0x229: {  	v36 =	vld [tilespmem:s20+$0xC60]  }
0x22a: {  	v38 =	vmul.f32 v31, v30;
	v40 =	vld [tilespmem:s20+$0x6C70];
	v3 =	vadd.f32 v35, v3  }
0x22b: {  	v39 =	vld [tilespmem:s20+$0xC70]  }
0x22c: {  	v43 =	vld [tilespmem:s20+$0x7000];
	v41 =	vmul.f32 v34, v33;
	v3 =	vadd.f32 v38, v3  }
0x22d: {  	v42 =	vld [tilespmem:s20+$0x1000]  }
0x22e: {  	v46 =	vld [tilespmem:s20+$0x7010];
	v44 =	vmul.f32 v37, v36;
	v3 =	vadd.f32 v41, v3  }
0x22f: {  	v45 =	vld [tilespmem:s20+$0x1010]  }
0x230: {  	v49 =	vld [tilespmem:s20+$0x7020];
	v47 =	vmul.f32 v40, v39;
	v3 =	vadd.f32 v44, v3  }
0x231: {  	v48 =	vld [tilespmem:s20+$0x1020]  }
0x232: {  	v52 =	vld [tilespmem:s20+$0x7030];
	v50 =	vmul.f32 v43, v42;
	v3 =	vadd.f32 v47, v3  }
0x233: {  	v51 =	vld [tilespmem:s20+$0x1030]  }
0x234: {  	v55 =	vld [tilespmem:s20+$0x7040];
	v53 =	vmul.f32 v46, v45;
	v3 =	vadd.f32 v50, v3  }
0x235: {  	v54 =	vld [tilespmem:s20+$0x1040]  }
0x236: {  	v58 =	vld [tilespmem:s20+$0x7050];
	v56 =	vmul.f32 v49, v48;
	v3 =	vadd.f32 v53, v3  }
0x237: {  	v57 =	vld [tilespmem:s20+$0x1050]  }
0x238: {  	v61 =	vld [tilespmem:s20+$0x7060];
	v59 =	vmul.f32 v52, v51;
	v3 =	vadd.f32 v56, v3  }
0x239: {  	v60 =	vld [tilespmem:s20+$0x1060]  }
0x23a: {  	v12 =	vld [tilespmem:s20+$0x7070];
	v62 =	vmul.f32 v55, v54;
	v3 =	vadd.f32 v59, v3  }
0x23b: {  	v63 =	vld [tilespmem:s20+$0x1070]  }
0x23c: {  	v15 =	vld [tilespmem:s20+$0x7400];
	v13 =	vmul.f32 v58, v57;
	v3 =	vadd.f32 v62, v3  }
0x23d: {  	v14 =	vld [tilespmem:s20+$0x1400]  }
0x23e: {  	v18 =	vld [tilespmem:s20+$0x7410];
	v16 =	vmul.f32 v61, v60;
	v3 =	vadd.f32 v13, v3  }
0x23f: {  	v17 =	vld [tilespmem:s20+$0x1410]  }
0x240: {  	v21 =	vld [tilespmem:s20+$0x7420];
	v19 =	vmul.f32 v12, v63;
	v3 =	vadd.f32 v16, v3  }
0x241: {  	v20 =	vld [tilespmem:s20+$0x1420]  }
0x242: {  	v24 =	vld [tilespmem:s20+$0x7430];
	v22 =	vmul.f32 v15, v14;
	v3 =	vadd.f32 v19, v3  }
0x243: {  	v23 =	vld [tilespmem:s20+$0x1430]  }
0x244: {  	v27 =	vld [tilespmem:s20+$0x7440];
	v25 =	vmul.f32 v18, v17;
	v3 =	vadd.f32 v22, v3  }
0x245: {  	v26 =	vld [tilespmem:s20+$0x1440]  }
0x246: {  	v30 =	vld [tilespmem:s20+$0x7450];
	v28 =	vmul.f32 v21, v20;
	v3 =	vadd.f32 v25, v3  }
0x247: {  	v29 =	vld [tilespmem:s20+$0x1450]  }
0x248: {  	v33 =	vld [tilespmem:s20+$0x7460];
	v31 =	vmul.f32 v24, v23;
	v3 =	vadd.f32 v28, v3  }
0x249: {  	v32 =	vld [tilespmem:s20+$0x1460]  }
0x24a: {  	v36 =	vld [tilespmem:s20+$0x7470];
	v34 =	vmul.f32 v27, v26;
	v3 =	vadd.f32 v31, v3  }
0x24b: {  	v35 =	vld [tilespmem:s20+$0x1470]  }
0x24c: {  	v39 =	vld [tilespmem:s20+$0x7800];
	v37 =	vmul.f32 v30, v29;
	v3 =	vadd.f32 v34, v3  }
0x24d: {  	v38 =	vld [tilespmem:s20+$0x1800]  }
0x24e: {  	v42 =	vld [tilespmem:s20+$0x7810];
	v40 =	vmul.f32 v33, v32;
	v3 =	vadd.f32 v37, v3  }
0x24f: {  	v41 =	vld [tilespmem:s20+$0x1810]  }
0x250: {  	v45 =	vld [tilespmem:s20+$0x7820];
	v43 =	vmul.f32 v36, v35;
	v3 =	vadd.f32 v40, v3  }
0x251: {  	v44 =	vld [tilespmem:s20+$0x1820]  }
0x252: {  	v48 =	vld [tilespmem:s20+$0x7830];
	v46 =	vmul.f32 v39, v38;
	v3 =	vadd.f32 v43, v3  }
0x253: {  	v47 =	vld [tilespmem:s20+$0x1830]  }
0x254: {  	v51 =	vld [tilespmem:s20+$0x7840];
	v49 =	vmul.f32 v42, v41;
	v3 =	vadd.f32 v46, v3  }
0x255: {  	v50 =	vld [tilespmem:s20+$0x1840]  }
0x256: {  	v54 =	vld [tilespmem:s20+$0x7850];
	v52 =	vmul.f32 v45, v44;
	v3 =	vadd.f32 v49, v3  }
0x257: {  	v53 =	vld [tilespmem:s20+$0x1850]  }
0x258: {  	v57 =	vld [tilespmem:s20+$0x7860];
	v55 =	vmul.f32 v48, v47;
	v3 =	vadd.f32 v52, v3  }
0x259: {  	v56 =	vld [tilespmem:s20+$0x1860]  }
0x25a: {  	v60 =	vld [tilespmem:s20+$0x7870];
	v58 =	vmul.f32 v51, v50;
	v3 =	vadd.f32 v55, v3  }
0x25b: {  	v59 =	vld [tilespmem:s20+$0x1870]  }
0x25c: {  	v61 =	vmul.f32 v54, v53;
	v3 =	vadd.f32 v58, v3;
	_ =	sdelay $0x1  }
0x25d: {  	v62 =	vmul.f32 v57, v56;
	v3 =	vadd.f32 v61, v3;
	_ =	sdelay $0x1  }
0x25e: {  	v63 =	vmul.f32 v60, v59;
	v3 =	vadd.f32 v62, v3  }
0x25f: {  	s25 =	simm.s32 $0x0  }
0x260: {  	s24 =	simm.s32 $0x80;
	s20 =	smul.u32 $0x1800, s25;
	v3 =	vadd.f32 v63, v3  }
0x261: {  	s26 =	sand.u32 $0x380, s24  }
0x262: {  	s25 =	simm.s32 $0x2;
	s23 =	sor.u32 s26, s20;
	s20 =	smov.u32 s22;
	[tilespmem:s22+$0x0] =	vst v3  }
.LBB2_7:
0x263: {  	p0 =	sne.s32 s25, $0x1F;
	v3 =	vld [tilespmem:s23+$0x6400]  }
0x264: {  	v4 =	vld [tilespmem:s23+$0x400]  }
0x265: {  	v5 =	vld [tilespmem:s23+$0x410]  }
0x266: {  	v6 =	vld [tilespmem:s23+$0x6410]  }
0x267: {  	v7 =	vld [tilespmem:s23+$0x420]  }
0x268: {  	v8 =	vld [tilespmem:s23+$0x6420]  }
0x269: {  	v9 =	vld [tilespmem:s23+$0x430]  }
0x26a: {  	v10 =	vld [tilespmem:s23+$0x6430]  }
0x26b: {  	v3 =	vmul.f32 v3, v4;
	v4 =	vmul.f32 v6, v5;
	v5 =	vld [tilespmem:s23+$0x440]  }
0x26c: {  	v6 =	vld [tilespmem:s23+$0x6440]  }
0x26d: {  	v3 =	vadd.f32 v4, v3;
	v4 =	vmul.f32 v8, v7;
	v7 =	vld [tilespmem:s23+$0x450]  }
0x26e: {  	v8 =	vld [tilespmem:s23+$0x6450]  }
0x26f: {  	v3 =	vadd.f32 v4, v3;
	v4 =	vmul.f32 v10, v9;
	v9 =	vld [tilespmem:s23+$0x460]  }
0x270: {  	v10 =	vld [tilespmem:s23+$0x6460]  }
0x271: {  	v3 =	vadd.f32 v4, v3;
	v4 =	vmul.f32 v6, v5;
	v5 =	vld [tilespmem:s23+$0x470]  }
0x272: {  	v6 =	vld [tilespmem:s23+$0x6470]  }
0x273: {  	v3 =	vadd.f32 v4, v3;
	v4 =	vmul.f32 v8, v7;
	v7 =	vld [tilespmem:s23+$0x800]  }
0x274: {  	v8 =	vld [tilespmem:s23+$0x6800]  }
0x275: {  	v3 =	vadd.f32 v4, v3;
	v4 =	vmul.f32 v10, v9;
	v9 =	vld [tilespmem:s23+$0x810]  }
0x276: {  	v10 =	vld [tilespmem:s23+$0x6810]  }
0x277: {  	v3 =	vadd.f32 v4, v3;
	v4 =	vmul.f32 v6, v5;
	v5 =	vld [tilespmem:s23+$0x820]  }
0x278: {  	v6 =	vld [tilespmem:s23+$0x6820]  }
0x279: {  	v3 =	vadd.f32 v4, v3;
	v4 =	vmul.f32 v8, v7;
	v7 =	vld [tilespmem:s23+$0x830]  }
0x27a: {  	v8 =	vld [tilespmem:s23+$0x6830]  }
0x27b: {  	v3 =	vadd.f32 v4, v3;
	v4 =	vmul.f32 v10, v9;
	v9 =	vld [tilespmem:s23+$0x840]  }
0x27c: {  	v10 =	vld [tilespmem:s23+$0x6840]  }
0x27d: {  	v3 =	vadd.f32 v4, v3;
	v4 =	vmul.f32 v6, v5;
	v5 =	vld [tilespmem:s23+$0x850]  }
0x27e: {  	v6 =	vld [tilespmem:s23+$0x6850]  }
0x27f: {  	v3 =	vadd.f32 v4, v3;
	v4 =	vmul.f32 v8, v7;
	v7 =	vld [tilespmem:s23+$0x860]  }
0x280: {  	v8 =	vld [tilespmem:s23+$0x6860]  }
0x281: {  	v3 =	vadd.f32 v4, v3;
	v4 =	vmul.f32 v10, v9;
	v9 =	vld [tilespmem:s23+$0x870]  }
0x282: {  	v10 =	vld [tilespmem:s23+$0x6870]  }
0x283: {  	v3 =	vadd.f32 v4, v3;
	v4 =	vmul.f32 v6, v5;
	v5 =	vld [tilespmem:s23+$0xC00]  }
0x284: {  	v6 =	vld [tilespmem:s23+$0x6C00]  }
0x285: {  	v3 =	vadd.f32 v4, v3;
	v4 =	vmul.f32 v8, v7;
	v7 =	vld [tilespmem:s23+$0xC10]  }
0x286: {  	v8 =	vld [tilespmem:s23+$0x6C10]  }
0x287: {  	v3 =	vadd.f32 v4, v3;
	v4 =	vmul.f32 v10, v9;
	v9 =	vld [tilespmem:s23+$0xC20]  }
0x288: {  	v10 =	vld [tilespmem:s23+$0x6C20]  }
0x289: {  	v3 =	vadd.f32 v4, v3;
	v4 =	vmul.f32 v6, v5;
	v5 =	vld [tilespmem:s23+$0xC30]  }
0x28a: {  	v6 =	vld [tilespmem:s23+$0x6C30]  }
0x28b: {  	v3 =	vadd.f32 v4, v3;
	v4 =	vmul.f32 v8, v7;
	v7 =	vld [tilespmem:s23+$0xC40]  }
0x28c: {  	v8 =	vld [tilespmem:s23+$0x6C40]  }
0x28d: {  	v3 =	vadd.f32 v4, v3;
	v4 =	vmul.f32 v10, v9;
	v9 =	vld [tilespmem:s23+$0xC50]  }
0x28e: {  	v10 =	vld [tilespmem:s23+$0x6C50]  }
0x28f: {  	v3 =	vadd.f32 v4, v3;
	v4 =	vmul.f32 v6, v5;
	v5 =	vld [tilespmem:s23+$0xC60]  }
0x290: {  	v6 =	vld [tilespmem:s23+$0x6C60]  }
0x291: {  	v3 =	vadd.f32 v4, v3;
	v4 =	vmul.f32 v8, v7;
	v7 =	vld [tilespmem:s23+$0xC70]  }
0x292: {  	v8 =	vld [tilespmem:s23+$0x6C70]  }
0x293: {  	v3 =	vadd.f32 v4, v3;
	v4 =	vmul.f32 v10, v9;
	v9 =	vld [tilespmem:s23+$0x1000]  }
0x294: {  	v10 =	vld [tilespmem:s23+$0x7000]  }
0x295: {  	v3 =	vadd.f32 v4, v3;
	v4 =	vmul.f32 v6, v5;
	v5 =	vld [tilespmem:s23+$0x1010]  }
0x296: {  	v6 =	vld [tilespmem:s23+$0x7010]  }
0x297: {  	v3 =	vadd.f32 v4, v3;
	v4 =	vmul.f32 v8, v7;
	v7 =	vld [tilespmem:s23+$0x1020]  }
0x298: {  	v8 =	vld [tilespmem:s23+$0x7020]  }
0x299: {  	v3 =	vadd.f32 v4, v3;
	v4 =	vmul.f32 v10, v9;
	v9 =	vld [tilespmem:s23+$0x1030]  }
0x29a: {  	v10 =	vld [tilespmem:s23+$0x7030]  }
0x29b: {  	v3 =	vadd.f32 v4, v3;
	v4 =	vmul.f32 v6, v5;
	v5 =	vld [tilespmem:s23+$0x1040]  }
0x29c: {  	v6 =	vld [tilespmem:s23+$0x7040]  }
0x29d: {  	v3 =	vadd.f32 v4, v3;
	v4 =	vmul.f32 v8, v7;
	v7 =	vld [tilespmem:s23+$0x1050]  }
0x29e: {  	v8 =	vld [tilespmem:s23+$0x7050]  }
0x29f: {  	v3 =	vadd.f32 v4, v3;
	v4 =	vmul.f32 v10, v9;
	v9 =	vld [tilespmem:s23+$0x1060]  }
0x2a0: {  	v10 =	vld [tilespmem:s23+$0x7060]  }
0x2a1: {  	v3 =	vadd.f32 v4, v3;
	v4 =	vmul.f32 v6, v5;
	v5 =	vld [tilespmem:s23+$0x1070]  }
0x2a2: {  	v6 =	vld [tilespmem:s23+$0x7070]  }
0x2a3: {  	v3 =	vadd.f32 v4, v3;
	v4 =	vmul.f32 v8, v7;
	v7 =	vld [tilespmem:s23+$0x1400]  }
0x2a4: {  	v8 =	vld [tilespmem:s23+$0x7400]  }
0x2a5: {  	v3 =	vadd.f32 v4, v3;
	v4 =	vmul.f32 v10, v9;
	v9 =	vld [tilespmem:s23+$0x1410]  }
0x2a6: {  	v10 =	vld [tilespmem:s23+$0x7410]  }
0x2a7: {  	v3 =	vadd.f32 v4, v3;
	v4 =	vmul.f32 v6, v5;
	v5 =	vld [tilespmem:s23+$0x1420]  }
0x2a8: {  	v6 =	vld [tilespmem:s23+$0x7420]  }
0x2a9: {  	v3 =	vadd.f32 v4, v3;
	v4 =	vmul.f32 v8, v7;
	v7 =	vld [tilespmem:s23+$0x1430]  }
0x2aa: {  	v8 =	vld [tilespmem:s23+$0x7430]  }
0x2ab: {  	v3 =	vadd.f32 v4, v3;
	v4 =	vmul.f32 v10, v9;
	v9 =	vld [tilespmem:s23+$0x1440]  }
0x2ac: {  	v10 =	vld [tilespmem:s23+$0x7440]  }
0x2ad: {  	v3 =	vadd.f32 v4, v3;
	v4 =	vmul.f32 v6, v5;
	v5 =	vld [tilespmem:s23+$0x1450]  }
0x2ae: {  	v6 =	vld [tilespmem:s23+$0x7450]  }
0x2af: {  	v3 =	vadd.f32 v4, v3;
	v4 =	vmul.f32 v8, v7;
	v7 =	vld [tilespmem:s23+$0x1460]  }
0x2b0: {  	v8 =	vld [tilespmem:s23+$0x7460]  }
0x2b1: {  	v3 =	vadd.f32 v4, v3;
	v4 =	vmul.f32 v10, v9;
	v9 =	vld [tilespmem:s23+$0x1470]  }
0x2b2: {  	v10 =	vld [tilespmem:s23+$0x7470]  }
0x2b3: {  	v3 =	vadd.f32 v4, v3;
	v4 =	vmul.f32 v6, v5;
	v5 =	vld [tilespmem:s23+$0x1800]  }
0x2b4: {  	v6 =	vld [tilespmem:s23+$0x7800]  }
0x2b5: {  	v3 =	vadd.f32 v4, v3;
	v4 =	vmul.f32 v8, v7;
	v7 =	vld [tilespmem:s23+$0x1810]  }
0x2b6: {  	v8 =	vld [tilespmem:s23+$0x7810]  }
0x2b7: {  	v3 =	vadd.f32 v4, v3;
	v4 =	vmul.f32 v10, v9;
	v9 =	vld [tilespmem:s23+$0x1820]  }
0x2b8: {  	v10 =	vld [tilespmem:s23+$0x7820]  }
0x2b9: {  	v3 =	vadd.f32 v4, v3;
	v4 =	vmul.f32 v6, v5;
	v5 =	vld [tilespmem:s23+$0x1830]  }
0x2ba: {  	v6 =	vld [tilespmem:s23+$0x7830]  }
0x2bb: {  	v3 =	vadd.f32 v4, v3;
	v4 =	vmul.f32 v8, v7;
	v7 =	vld [tilespmem:s23+$0x1840]  }
0x2bc: {  	v8 =	vld [tilespmem:s23+$0x7840]  }
0x2bd: {  	v3 =	vadd.f32 v4, v3;
	v4 =	vmul.f32 v10, v9;
	v9 =	vld [tilespmem:s23+$0x1850]  }
0x2be: {  	v10 =	vld [tilespmem:s23+$0x7850]  }
0x2bf: {  	v3 =	vadd.f32 v4, v3;
	v4 =	vmul.f32 v6, v5;
	v5 =	vld [tilespmem:s23+$0x1860]  }
0x2c0: {  	v6 =	vld [tilespmem:s23+$0x7860]  }
0x2c1: {  	v3 =	vadd.f32 v4, v3;
	v4 =	vmul.f32 v8, v7;
	v7 =	vld [tilespmem:s23+$0x1870]  }
0x2c2: {  	v8 =	vld [tilespmem:s23+$0x7870]  }
0x2c3: {  	v3 =	vadd.f32 v4, v3;
	v4 =	vmul.f32 v10, v9;
	_ =	sdelay $0x1  }
0x2c4: {  	v3 =	vadd.f32 v4, v3;
	v4 =	vmul.f32 v6, v5;
	_ =	sdelay $0x1  }
.Ltmp2:
0x2c5: {  	v3 =	vadd.f32 v4, v3;
	v4 =	vmul.f32 v8, v7;
	(pc) =	sbr.rel @p0 .LBB2_7-.Ltmp2, $4  }
0x2c6: {  	s23 =	sshrl.u32 s25, $0x3  }
0x2c7: {  	s24 =	sadd.s32 $0x80, s24;
	s23 =	smul.u32 $0x1800, s23;
	v3 =	vadd.f32 v4, v3  }
0x2c8: {  	s20 =	sadd.s32 $0x80, s20;
	s26 =	sand.u32 $0x380, s24  }
0x2c9: {  	s25 =	sadd.s32 $0x1, s25;
	s23 =	sor.u32 s26, s23;
	[tilespmem:s20+$0x0] =	vst v3  }
0x2ca: {  	v3 =	vld [tilespmem:s23+$0x6400]  }
0x2cb: {  	v4 =	vld [tilespmem:s23+$0x400]  }
0x2cc: {  	v5 =	vld [tilespmem:s23+$0x410]  }
0x2cd: {  	v6 =	vld [tilespmem:s23+$0x6410]  }
0x2ce: {  	v7 =	vld [tilespmem:s23+$0x420]  }
0x2cf: {  	v8 =	vld [tilespmem:s23+$0x6420]  }
0x2d0: {  	v9 =	vld [tilespmem:s23+$0x430]  }
0x2d1: {  	v10 =	vld [tilespmem:s23+$0x6430]  }
0x2d2: {  	v34 =	vld [tilespmem:s23+$0x440];
	v3 =	vmul.f32 v3, v4;
	v33 =	vmul.f32 v6, v5  }
0x2d3: {  	v35 =	vld [tilespmem:s23+$0x6440]  }
0x2d4: {  	v37 =	vld [tilespmem:s23+$0x450];
	v36 =	vmul.f32 v8, v7;
	v3 =	vadd.f32 v33, v3  }
0x2d5: {  	v38 =	vld [tilespmem:s23+$0x6450]  }
0x2d6: {  	v40 =	vld [tilespmem:s23+$0x460];
	v39 =	vmul.f32 v10, v9;
	v3 =	vadd.f32 v36, v3  }
0x2d7: {  	v41 =	vld [tilespmem:s23+$0x6460]  }
0x2d8: {  	v43 =	vld [tilespmem:s23+$0x470];
	v42 =	vmul.f32 v35, v34;
	v3 =	vadd.f32 v39, v3  }
0x2d9: {  	v44 =	vld [tilespmem:s23+$0x6470]  }
0x2da: {  	v46 =	vld [tilespmem:s23+$0x800];
	v45 =	vmul.f32 v38, v37;
	v3 =	vadd.f32 v42, v3  }
0x2db: {  	v47 =	vld [tilespmem:s23+$0x6800]  }
0x2dc: {  	v49 =	vld [tilespmem:s23+$0x810];
	v48 =	vmul.f32 v41, v40;
	v3 =	vadd.f32 v45, v3  }
0x2dd: {  	v50 =	vld [tilespmem:s23+$0x6810]  }
0x2de: {  	v52 =	vld [tilespmem:s23+$0x820];
	v51 =	vmul.f32 v44, v43;
	v3 =	vadd.f32 v48, v3  }
0x2df: {  	v53 =	vld [tilespmem:s23+$0x6820]  }
0x2e0: {  	v55 =	vld [tilespmem:s23+$0x830];
	v54 =	vmul.f32 v47, v46;
	v3 =	vadd.f32 v51, v3  }
0x2e1: {  	v56 =	vld [tilespmem:s23+$0x6830]  }
0x2e2: {  	v58 =	vld [tilespmem:s23+$0x840];
	v57 =	vmul.f32 v50, v49;
	v3 =	vadd.f32 v54, v3  }
0x2e3: {  	v59 =	vld [tilespmem:s23+$0x6840]  }
0x2e4: {  	v61 =	vld [tilespmem:s23+$0x850];
	v60 =	vmul.f32 v53, v52;
	v3 =	vadd.f32 v57, v3  }
0x2e5: {  	v62 =	vld [tilespmem:s23+$0x6850]  }
0x2e6: {  	v12 =	vld [tilespmem:s23+$0x860];
	v63 =	vmul.f32 v56, v55;
	v3 =	vadd.f32 v60, v3  }
0x2e7: {  	v13 =	vld [tilespmem:s23+$0x6860]  }
0x2e8: {  	v15 =	vld [tilespmem:s23+$0x870];
	v14 =	vmul.f32 v59, v58;
	v3 =	vadd.f32 v63, v3  }
0x2e9: {  	v16 =	vld [tilespmem:s23+$0x6870]  }
0x2ea: {  	v18 =	vld [tilespmem:s23+$0xC00];
	v17 =	vmul.f32 v62, v61;
	v3 =	vadd.f32 v14, v3  }
0x2eb: {  	v19 =	vld [tilespmem:s23+$0x6C00]  }
0x2ec: {  	v21 =	vld [tilespmem:s23+$0xC10];
	v20 =	vmul.f32 v13, v12;
	v3 =	vadd.f32 v17, v3  }
0x2ed: {  	v22 =	vld [tilespmem:s23+$0x6C10]  }
0x2ee: {  	v24 =	vld [tilespmem:s23+$0xC20];
	v23 =	vmul.f32 v16, v15;
	v3 =	vadd.f32 v20, v3  }
0x2ef: {  	v25 =	vld [tilespmem:s23+$0x6C20]  }
0x2f0: {  	v27 =	vld [tilespmem:s23+$0xC30];
	v26 =	vmul.f32 v19, v18;
	v3 =	vadd.f32 v23, v3  }
0x2f1: {  	v28 =	vld [tilespmem:s23+$0x6C30]  }
0x2f2: {  	v30 =	vld [tilespmem:s23+$0xC40];
	v29 =	vmul.f32 v22, v21;
	v3 =	vadd.f32 v26, v3  }
0x2f3: {  	v31 =	vld [tilespmem:s23+$0x6C40]  }
0x2f4: {  	v32 =	vmul.f32 v25, v24;
	v34 =	vld [tilespmem:s23+$0x6C50];
	v3 =	vadd.f32 v29, v3  }
0x2f5: {  	v33 =	vld [tilespmem:s23+$0xC50]  }
0x2f6: {  	v35 =	vmul.f32 v28, v27;
	v37 =	vld [tilespmem:s23+$0x6C60];
	v3 =	vadd.f32 v32, v3  }
0x2f7: {  	v36 =	vld [tilespmem:s23+$0xC60]  }
0x2f8: {  	v38 =	vmul.f32 v31, v30;
	v40 =	vld [tilespmem:s23+$0x6C70];
	v3 =	vadd.f32 v35, v3  }
0x2f9: {  	v39 =	vld [tilespmem:s23+$0xC70]  }
0x2fa: {  	v43 =	vld [tilespmem:s23+$0x7000];
	v41 =	vmul.f32 v34, v33;
	v3 =	vadd.f32 v38, v3  }
0x2fb: {  	v42 =	vld [tilespmem:s23+$0x1000]  }
0x2fc: {  	v46 =	vld [tilespmem:s23+$0x7010];
	v44 =	vmul.f32 v37, v36;
	v3 =	vadd.f32 v41, v3  }
0x2fd: {  	v45 =	vld [tilespmem:s23+$0x1010]  }
0x2fe: {  	v49 =	vld [tilespmem:s23+$0x7020];
	v47 =	vmul.f32 v40, v39;
	v3 =	vadd.f32 v44, v3  }
0x2ff: {  	v48 =	vld [tilespmem:s23+$0x1020]  }
0x300: {  	v52 =	vld [tilespmem:s23+$0x7030];
	v50 =	vmul.f32 v43, v42;
	v3 =	vadd.f32 v47, v3  }
0x301: {  	v51 =	vld [tilespmem:s23+$0x1030]  }
0x302: {  	v55 =	vld [tilespmem:s23+$0x7040];
	v53 =	vmul.f32 v46, v45;
	v3 =	vadd.f32 v50, v3  }
0x303: {  	v54 =	vld [tilespmem:s23+$0x1040]  }
0x304: {  	v58 =	vld [tilespmem:s23+$0x7050];
	v56 =	vmul.f32 v49, v48;
	v3 =	vadd.f32 v53, v3  }
0x305: {  	v57 =	vld [tilespmem:s23+$0x1050]  }
0x306: {  	v61 =	vld [tilespmem:s23+$0x7060];
	v59 =	vmul.f32 v52, v51;
	v3 =	vadd.f32 v56, v3  }
0x307: {  	v60 =	vld [tilespmem:s23+$0x1060]  }
0x308: {  	v12 =	vld [tilespmem:s23+$0x7070];
	v62 =	vmul.f32 v55, v54;
	v3 =	vadd.f32 v59, v3  }
0x309: {  	v63 =	vld [tilespmem:s23+$0x1070]  }
0x30a: {  	v15 =	vld [tilespmem:s23+$0x7400];
	v13 =	vmul.f32 v58, v57;
	v3 =	vadd.f32 v62, v3  }
0x30b: {  	v14 =	vld [tilespmem:s23+$0x1400]  }
0x30c: {  	v18 =	vld [tilespmem:s23+$0x7410];
	v16 =	vmul.f32 v61, v60;
	v3 =	vadd.f32 v13, v3  }
0x30d: {  	v17 =	vld [tilespmem:s23+$0x1410]  }
0x30e: {  	v21 =	vld [tilespmem:s23+$0x7420];
	v19 =	vmul.f32 v12, v63;
	v3 =	vadd.f32 v16, v3  }
0x30f: {  	v20 =	vld [tilespmem:s23+$0x1420]  }
0x310: {  	v24 =	vld [tilespmem:s23+$0x7430];
	v22 =	vmul.f32 v15, v14;
	v3 =	vadd.f32 v19, v3  }
0x311: {  	v23 =	vld [tilespmem:s23+$0x1430]  }
0x312: {  	v27 =	vld [tilespmem:s23+$0x7440];
	v25 =	vmul.f32 v18, v17;
	v3 =	vadd.f32 v22, v3  }
0x313: {  	v26 =	vld [tilespmem:s23+$0x1440]  }
0x314: {  	v30 =	vld [tilespmem:s23+$0x7450];
	v28 =	vmul.f32 v21, v20;
	v3 =	vadd.f32 v25, v3  }
0x315: {  	v29 =	vld [tilespmem:s23+$0x1450]  }
0x316: {  	v33 =	vld [tilespmem:s23+$0x7460];
	v31 =	vmul.f32 v24, v23;
	v3 =	vadd.f32 v28, v3  }
0x317: {  	v32 =	vld [tilespmem:s23+$0x1460]  }
0x318: {  	v36 =	vld [tilespmem:s23+$0x7470];
	v34 =	vmul.f32 v27, v26;
	v3 =	vadd.f32 v31, v3  }
0x319: {  	v35 =	vld [tilespmem:s23+$0x1470]  }
0x31a: {  	v39 =	vld [tilespmem:s23+$0x7800];
	v37 =	vmul.f32 v30, v29;
	v3 =	vadd.f32 v34, v3  }
0x31b: {  	v38 =	vld [tilespmem:s23+$0x1800]  }
0x31c: {  	v42 =	vld [tilespmem:s23+$0x7810];
	v40 =	vmul.f32 v33, v32;
	v3 =	vadd.f32 v37, v3  }
0x31d: {  	v41 =	vld [tilespmem:s23+$0x1810]  }
0x31e: {  	v45 =	vld [tilespmem:s23+$0x7820];
	v43 =	vmul.f32 v36, v35;
	v3 =	vadd.f32 v40, v3  }
0x31f: {  	v44 =	vld [tilespmem:s23+$0x1820]  }
0x320: {  	v48 =	vld [tilespmem:s23+$0x7830];
	v46 =	vmul.f32 v39, v38;
	v3 =	vadd.f32 v43, v3  }
0x321: {  	v47 =	vld [tilespmem:s23+$0x1830]  }
0x322: {  	v51 =	vld [tilespmem:s23+$0x7840];
	v49 =	vmul.f32 v42, v41;
	v3 =	vadd.f32 v46, v3  }
0x323: {  	v50 =	vld [tilespmem:s23+$0x1840]  }
0x324: {  	v54 =	vld [tilespmem:s23+$0x7850];
	v52 =	vmul.f32 v45, v44;
	v3 =	vadd.f32 v49, v3  }
0x325: {  	v53 =	vld [tilespmem:s23+$0x1850]  }
0x326: {  	v57 =	vld [tilespmem:s23+$0x7860];
	v55 =	vmul.f32 v48, v47;
	v3 =	vadd.f32 v52, v3  }
0x327: {  	v56 =	vld [tilespmem:s23+$0x1860]  }
0x328: {  	v60 =	vld [tilespmem:s23+$0x7870];
	v58 =	vmul.f32 v51, v50;
	v3 =	vadd.f32 v55, v3  }
0x329: {  	v59 =	vld [tilespmem:s23+$0x1870]  }
0x32a: {  	v61 =	vmul.f32 v54, v53;
	v3 =	vadd.f32 v58, v3;
	_ =	sdelay $0x1  }
0x32b: {  	s21 =	sadd.s32 $0x1, s21;
	v62 =	vmul.f32 v57, v56;
	v3 =	vadd.f32 v61, v3  }
0x32c: {  	p0 =	sne.s32 s21, $0x8  }
.Ltmp3:
0x32d: {  	v63 =	vmul.f32 v60, v59;
	v3 =	vadd.f32 v62, v3;
	(pc) =	sbr.rel @p0 .LBB2_6-.Ltmp3, $4  }
0x32e: {  	_ = 	snop  }
0x32f: {  	v3 =	vadd.f32 v63, v3  }
0x330: {  	s20 =	sadd.s32 $0x80, s20  }
0x331: {  	s22 =	sadd.s32 $0x1000, s22;
	[tilespmem:s20+$0x0] =	vst v3  }
0x332: {  	s19 =	simm.s32 $0x0  }
0x333: {  	s20 =	rddreg [dreg:$0x8];
	s21 =	simm.s32 $0xC400;
	s25 =	simm.s32 $0x3  }
0x334: {  	[hbm4b:s20+s19] =	stream.linear.scatter [tilespmem:s21], [sflag:$0x3], $0x8000, $0x38;
	[tilespmem:$0x14480] =	vst v63  }
0x335: {  	_ =	swait.ge [sflag:s25], $0x8000  }
0x336: {  	s24 =	rddreg [dreg:$0xa]  }
0x337: {  	s26 =	rddreg [dreg:$0x9];
	s21 =	sadd.s32 $0x1, s24  }
0x338: {  	p0 =	sne.s32 s21, s26  }
.Ltmp4:
0x339: {  	_ = 	snop;
	(pc) =	sbr.rel @p0 .LBB2_1-.Ltmp4, $3  }
0x33a: {  	_ =	sdelay $0x1  }
0x33b: {  	[sflag:s25] =	ssyncset.done $0x0  }
0x33c: {  	[sflag:s25] =	ssyncadd.s32 $0xFFFF8000;
	s26 =	simm.s32 $0x200  }
0x33d: {  	_ =	sfence.sel $0x180000  }
0x33e: {  	[bflag:$0x0] =	sbarrier.arrive $0xFFFF  }
0x33f: {  	_ =	strace $0x90000047  }
0x340: {  	s0 =	stileid.u32;
	[bflag:$0x2] =	sbarrier.arrive $0xFFFF  }
0x341: {  	p0 =	sne.s32 s0, $0x0;
	s0 =	rddreg [dreg:$0x2]  }
0x342: {  	s0 =	sadd.s32 @!p0 $0x100000, s0  }
0x343: {  	[sflag:s0] =	ssyncadd.tile.s32 @!p0 $0x1;
	_ =	shalt  }
.Lfunc_end2:
_tile_overlayer_lowered:
.L_overlay_start_2:
0x344: {  	(tag) =	ssettag $0x2  }
0x345: {  	s0 =	rddreg [dreg:$0x0];
	s2 =	stileid.u32  }
0x346: {  	s1 =	rddreg [dreg:$0x1];
	p0 =	sne.s32 s2, $0x0  }
0x347: {  	s3 =	rddreg [dreg:$0x2];
	[bflag:$0x3] =	sbarrier.arrive $0xFFFF;
	s2 =	simm.s32 @!p0 $0x1C03  }
0x348: {  	[timem:s3], [sflag:s2] =	dma.local @!p0 [hbm:s0], s1  }
0x349: {  	s0 =	simm.s32 @!p0 $0x3  }
0x34a: {  	_ =	swait.ge @!p0 [sflag:s0], s1  }
0x34b: {  	s1 =	ssub.s32 @!p0 $0x0, s1;
	[sflag:s0] =	ssyncset.done @!p0 $0x0  }
0x34c: {  	[sflag:s0] =	ssyncadd.s32 @!p0 s1  }
0x34d: {  	[bflag:$0x3] =	sbarrier.arrive $0xFFFF  }
0x34e: {  	_ =	shalt  }

</sc_bundles>
